<compile_context>
chip_gen: v7x
topology: tpu7x:2x2x1
jax: 0.10.2.dev20260603
libtpu: 0.0.44.dev20260713+nightly
codegen_flags: <defaults>
</compile_context>

<pallas_src>
import functools

import jax
import jax.numpy as jnp
import numpy as np
from jax.experimental import pallas as pl
from jax.experimental.pallas import tpu as pltpu
from jax.experimental.pallas import tpu_sc as plsc

_COORDS_XY = np.array(
    [[2, 1], [4, 1], [1, 2], [2, 2], [3, 2], [4, 2], [5, 2], [1, 3], [2, 3],
     [3, 3], [4, 3], [5, 3], [1, 4], [2, 4], [3, 4], [4, 4], [5, 4], [2, 5],
     [4, 5]], dtype=np.int32)

_N = 19
_HALF = 1024


@functools.partial(
    pl.kernel,
    mesh=plsc.ScalarSubcoreMesh(axis_name="c", num_cores=1),
    out_type=jax.ShapeDtypeStruct((2 * _N, _HALF), jnp.float32),
    scratch_types=[
        pltpu.VMEM_SHARED((8, _HALF), jnp.float32),
        pltpu.VMEM_SHARED((22, _HALF), jnp.float32),
        pltpu.SemaphoreType.DMA,
        pltpu.SemaphoreType.DMA,
    ],
)
def _pe_gather(table_hbm, out_hbm, rows_spm, asm_spm, sem_r, sem_w):
    flat_src = [int(_COORDS_XY[i, j]) for i in range(_N) for j in (0, 1)]
    reads = []
    for k in range(16, 38):
        reads.append(pltpu.async_copy(
            table_hbm.at[pl.ds(flat_src[k], 1)],
            asm_spm.at[pl.ds(k - 16, 1)], sem_r))
    pltpu.sync_copy(table_hbm.at[pl.ds(0, 8)], rows_spm)
    writes = []
    for k in range(16):
        writes.append(pltpu.async_copy(
            rows_spm.at[pl.ds(flat_src[k], 1)],
            out_hbm.at[pl.ds(k, 1)], sem_w))
    for r in reads:
        r.wait()
    for base, length in ((0, 8), (8, 8), (16, 6)):
        writes.append(pltpu.async_copy(
            asm_spm.at[pl.ds(base, length)],
            out_hbm.at[pl.ds(16 + base, length)], sem_w))
    for w in writes:
        w.wait()


def kernel(x, pe):
    del x
    table = pe.reshape(pe.shape[1], pe.shape[2])
    out = _pe_gather(table)
    return out.reshape(1, _N, 2 * _HALF)

# --- scband reference (transcript-rebuilt; emitter-appended) ---
"""Pipeline reference for scband-channel-positional-embedding-39152921870944 (READ-ONLY COPY).

The authoritative reference and input builder live on the scoring server;
editing this copy changes nothing except your own understanding.
"""

import jax, jax.numpy as jnp
import numpy as np

COORDS = np.array([[2, 1], [4, 1], [1, 2], [2, 2], [3, 2], [4, 2], [5, 2], [1, 3], [2, 3], [3, 3], [4, 3], [5, 3], [1, 4], [2, 4], [3, 4], [4, 4], [5, 4], [2, 5], [4, 5]], dtype=np.int64)

D_MODEL = 2048
MAX_LEN = 5000


def _build_pe(d_model, max_len):
    half = d_model // 2
    position = jnp.arange(max_len, dtype=jnp.float32)[:, None]
    div_term = jnp.exp(jnp.arange(0, half, 2, dtype=jnp.float32) * -(np.log(10000.0) / half))
    pe = jnp.zeros((max_len, half), dtype=jnp.float32)
    pe = pe.at[:, 0::2].set(jnp.sin(position * div_term))
    pe = pe.at[:, 1::2].set(jnp.cos(position * div_term))
    return pe[None]  # [1, max_len, d_model//2]


def setup_inputs(seed: int = 0) -> dict:
    key = jax.random.key(seed)
    x = jax.random.normal(key, (4, 19, D_MODEL), dtype=jnp.float32)
    pe = _build_pe(D_MODEL, MAX_LEN)
    return {"x": x, "pe": pe}


def reference(x, pe):
    coords = jnp.asarray(COORDS)
    x_axis = pe[:, coords[:, 0]]  # gather rows -> [1, 19, d_model//2]
    y_axis = pe[:, coords[:, 1]]  # gather rows -> [1, 19, d_model//2]
    return jnp.concatenate([x_axis, y_axis], axis=-1)  # [1, 19, d_model]

if __name__ == "__main__":
    import jax
    _d = setup_inputs()
    print(jax.jit(kernel)(*tuple(_d.values())))

</pallas_src>

<mosaic_0001>
#map = affine_map<(d0) -> (0, 0)>
module attributes {stable_mosaic.version = 14 : i64} {
  func.func @_pe_gather(%arg0: i32, %arg1: memref<5000x1024xf32, #tpu.memory_space<hbm>>, %arg2: memref<38x1024xf32, #tpu.memory_space<hbm>>, %arg3: memref<8x1024xf32, #tpu.memory_space<vmem_shared>>, %arg4: memref<22x1024xf32, #tpu.memory_space<vmem_shared>>, %arg5: memref<!tpu.dma_semaphore, #tpu.memory_space<semaphore_mem>>, %arg6: memref<!tpu.dma_semaphore, #tpu.memory_space<semaphore_mem>>) attributes {dimension_semantics = [#tpu.dimension_semantics<core_parallel>], iteration_bounds = array<i64: 1>, scalar_prefetch = 0 : i64, scratch_operands = 4 : i64, tpu.core_type = #tpu.core_type<sc_scalar_subcore>, window_params = [{transform_indices = #map}, {transform_indices = #map}]} {
    %dma_start3A = arith.constant 0 : i32
    %dma_start3A_0 = arith.constant 0 : i32
    %dma_start3A_1 = tpu.memref_slice %arg4[%dma_start3A, %dma_start3A_0] : memref<22x1024xf32, #tpu.memory_space<vmem_shared>> -> memref<1x1024xf32, #tpu.memory_space<vmem_shared>>
    %dma_start3A_2 = arith.constant 2 : i32
    %dma_start3A_3 = arith.constant 0 : i32
    %dma_start3A_4 = tpu.memref_slice %arg1[%dma_start3A_2, %dma_start3A_3] : memref<5000x1024xf32, #tpu.memory_space<hbm>> -> memref<1x1024xf32, #tpu.memory_space<hbm>>
    tpu.enqueue_dma source(%dma_start3A_4 : memref<1x1024xf32, #tpu.memory_space<hbm>>) target(%dma_start3A_1 : memref<1x1024xf32, #tpu.memory_space<vmem_shared>>) target_semaphore(%arg5 : memref<!tpu.dma_semaphore, #tpu.memory_space<semaphore_mem>>)
    %dma_start3A_5 = arith.constant 1 : i32
    %dma_start3A_6 = arith.constant 0 : i32
    %dma_start3A_7 = tpu.memref_slice %arg4[%dma_start3A_5, %dma_start3A_6] : memref<22x1024xf32, #tpu.memory_space<vmem_shared>> -> memref<1x1024xf32, #tpu.memory_space<vmem_shared>>
    %dma_start3A_8 = arith.constant 3 : i32
    %dma_start3A_9 = arith.constant 0 : i32
    %dma_start3A_10 = tpu.memref_slice %arg1[%dma_start3A_8, %dma_start3A_9] : memref<5000x1024xf32, #tpu.memory_space<hbm>> -> memref<1x1024xf32, #tpu.memory_space<hbm>>
    tpu.enqueue_dma source(%dma_start3A_10 : memref<1x1024xf32, #tpu.memory_space<hbm>>) target(%dma_start3A_7 : memref<1x1024xf32, #tpu.memory_space<vmem_shared>>) target_semaphore(%arg5 : memref<!tpu.dma_semaphore, #tpu.memory_space<semaphore_mem>>)
    %dma_start3A_11 = arith.constant 2 : i32
    %dma_start3A_12 = arith.constant 0 : i32
    %dma_start3A_13 = tpu.memref_slice %arg4[%dma_start3A_11, %dma_start3A_12] : memref<22x1024xf32, #tpu.memory_space<vmem_shared>> -> memref<1x1024xf32, #tpu.memory_space<vmem_shared>>
    %dma_start3A_14 = arith.constant 3 : i32
    %dma_start3A_15 = arith.constant 0 : i32
    %dma_start3A_16 = tpu.memref_slice %arg1[%dma_start3A_14, %dma_start3A_15] : memref<5000x1024xf32, #tpu.memory_space<hbm>> -> memref<1x1024xf32, #tpu.memory_space<hbm>>
    tpu.enqueue_dma source(%dma_start3A_16 : memref<1x1024xf32, #tpu.memory_space<hbm>>) target(%dma_start3A_13 : memref<1x1024xf32, #tpu.memory_space<vmem_shared>>) target_semaphore(%arg5 : memref<!tpu.dma_semaphore, #tpu.memory_space<semaphore_mem>>)
    %dma_start3A_17 = arith.constant 3 : i32
    %dma_start3A_18 = arith.constant 0 : i32
    %dma_start3A_19 = tpu.memref_slice %arg4[%dma_start3A_17, %dma_start3A_18] : memref<22x1024xf32, #tpu.memory_space<vmem_shared>> -> memref<1x1024xf32, #tpu.memory_space<vmem_shared>>
    %dma_start3A_20 = arith.constant 3 : i32
    %dma_start3A_21 = arith.constant 0 : i32
    %dma_start3A_22 = tpu.memref_slice %arg1[%dma_start3A_20, %dma_start3A_21] : memref<5000x1024xf32, #tpu.memory_space<hbm>> -> memref<1x1024xf32, #tpu.memory_space<hbm>>
    tpu.enqueue_dma source(%dma_start3A_22 : memref<1x1024xf32, #tpu.memory_space<hbm>>) target(%dma_start3A_19 : memref<1x1024xf32, #tpu.memory_space<vmem_shared>>) target_semaphore(%arg5 : memref<!tpu.dma_semaphore, #tpu.memory_space<semaphore_mem>>)
    %dma_start3A_23 = arith.constant 4 : i32
    %dma_start3A_24 = arith.constant 0 : i32
    %dma_start3A_25 = tpu.memref_slice %arg4[%dma_start3A_23, %dma_start3A_24] : memref<22x1024xf32, #tpu.memory_space<vmem_shared>> -> memref<1x1024xf32, #tpu.memory_space<vmem_shared>>
    %dma_start3A_26 = arith.constant 4 : i32
    %dma_start3A_27 = arith.constant 0 : i32
    %dma_start3A_28 = tpu.memref_slice %arg1[%dma_start3A_26, %dma_start3A_27] : memref<5000x1024xf32, #tpu.memory_space<hbm>> -> memref<1x1024xf32, #tpu.memory_space<hbm>>
    tpu.enqueue_dma source(%dma_start3A_28 : memref<1x1024xf32, #tpu.memory_space<hbm>>) target(%dma_start3A_25 : memref<1x1024xf32, #tpu.memory_space<vmem_shared>>) target_semaphore(%arg5 : memref<!tpu.dma_semaphore, #tpu.memory_space<semaphore_mem>>)
    %dma_start3A_29 = arith.constant 5 : i32
    %dma_start3A_30 = arith.constant 0 : i32
    %dma_start3A_31 = tpu.memref_slice %arg4[%dma_start3A_29, %dma_start3A_30] : memref<22x1024xf32, #tpu.memory_space<vmem_shared>> -> memref<1x1024xf32, #tpu.memory_space<vmem_shared>>
    %dma_start3A_32 = arith.constant 3 : i32
    %dma_start3A_33 = arith.constant 0 : i32
    %dma_start3A_34 = tpu.memref_slice %arg1[%dma_start3A_32, %dma_start3A_33] : memref<5000x1024xf32, #tpu.memory_space<hbm>> -> memref<1x1024xf32, #tpu.memory_space<hbm>>
    tpu.enqueue_dma source(%dma_start3A_34 : memref<1x1024xf32, #tpu.memory_space<hbm>>) target(%dma_start3A_31 : memref<1x1024xf32, #tpu.memory_space<vmem_shared>>) target_semaphore(%arg5 : memref<!tpu.dma_semaphore, #tpu.memory_space<semaphore_mem>>)
    %dma_start3A_35 = arith.constant 6 : i32
    %dma_start3A_36 = arith.constant 0 : i32
    %dma_start3A_37 = tpu.memref_slice %arg4[%dma_start3A_35, %dma_start3A_36] : memref<22x1024xf32, #tpu.memory_space<vmem_shared>> -> memref<1x1024xf32, #tpu.memory_space<vmem_shared>>
    %dma_start3A_38 = arith.constant 5 : i32
    %dma_start3A_39 = arith.constant 0 : i32
    %dma_start3A_40 = tpu.memref_slice %arg1[%dma_start3A_38, %dma_start3A_39] : memref<5000x1024xf32, #tpu.memory_space<hbm>> -> memref<1x1024xf32, #tpu.memory_space<hbm>>
    tpu.enqueue_dma source(%dma_start3A_40 : memref<1x1024xf32, #tpu.memory_space<hbm>>) target(%dma_start3A_37 : memref<1x1024xf32, #tpu.memory_space<vmem_shared>>) target_semaphore(%arg5 : memref<!tpu.dma_semaphore, #tpu.memory_space<semaphore_mem>>)
    %dma_start3A_41 = arith.constant 7 : i32
    %dma_start3A_42 = arith.constant 0 : i32
    %dma_start3A_43 = tpu.memref_slice %arg4[%dma_start3A_41, %dma_start3A_42] : memref<22x1024xf32, #tpu.memory_space<vmem_shared>> -> memref<1x1024xf32, #tpu.memory_space<vmem_shared>>
    %dma_start3A_44 = arith.constant 3 : i32
    %dma_start3A_45 = arith.constant 0 : i32
    %dma_start3A_46 = tpu.memref_slice %arg1[%dma_start3A_44, %dma_start3A_45] : memref<5000x1024xf32, #tpu.memory_space<hbm>> -> memref<1x1024xf32, #tpu.memory_space<hbm>>
    tpu.enqueue_dma source(%dma_start3A_46 : memref<1x1024xf32, #tpu.memory_space<hbm>>) target(%dma_start3A_43 : memref<1x1024xf32, #tpu.memory_space<vmem_shared>>) target_semaphore(%arg5 : memref<!tpu.dma_semaphore, #tpu.memory_space<semaphore_mem>>)
    %dma_start3A_47 = arith.constant 8 : i32
    %dma_start3A_48 = arith.constant 0 : i32
    %dma_start3A_49 = tpu.memref_slice %arg4[%dma_start3A_47, %dma_start3A_48] : memref<22x1024xf32, #tpu.memory_space<vmem_shared>> -> memref<1x1024xf32, #tpu.memory_space<vmem_shared>>
    %dma_start3A_50 = arith.constant 1 : i32
    %dma_start3A_51 = arith.constant 0 : i32
    %dma_start3A_52 = tpu.memref_slice %arg1[%dma_start3A_50, %dma_start3A_51] : memref<5000x1024xf32, #tpu.memory_space<hbm>> -> memref<1x1024xf32, #tpu.memory_space<hbm>>
    tpu.enqueue_dma source(%dma_start3A_52 : memref<1x1024xf32, #tpu.memory_space<hbm>>) target(%dma_start3A_49 : memref<1x1024xf32, #tpu.memory_space<vmem_shared>>) target_semaphore(%arg5 : memref<!tpu.dma_semaphore, #tpu.memory_space<semaphore_mem>>)
    %dma_start3A_53 = arith.constant 9 : i32
    %dma_start3A_54 = arith.constant 0 : i32
    %dma_start3A_55 = tpu.memref_slice %arg4[%dma_start3A_53, %dma_start3A_54] : memref<22x1024xf32, #tpu.memory_space<vmem_shared>> -> memref<1x1024xf32, #tpu.memory_space<vmem_shared>>
    %dma_start3A_56 = arith.constant 4 : i32
    %dma_start3A_57 = arith.constant 0 : i32
    %dma_start3A_58 = tpu.memref_slice %arg1[%dma_start3A_56, %dma_start3A_57] : memref<5000x1024xf32, #tpu.memory_space<hbm>> -> memref<1x1024xf32, #tpu.memory_space<hbm>>
    tpu.enqueue_dma source(%dma_start3A_58 : memref<1x1024xf32, #tpu.memory_space<hbm>>) target(%dma_start3A_55 : memref<1x1024xf32, #tpu.memory_space<vmem_shared>>) target_semaphore(%arg5 : memref<!tpu.dma_semaphore, #tpu.memory_space<semaphore_mem>>)
    %dma_start3A_59 = arith.constant 10 : i32
    %dma_start3A_60 = arith.constant 0 : i32
    %dma_start3A_61 = tpu.memref_slice %arg4[%dma_start3A_59, %dma_start3A_60] : memref<22x1024xf32, #tpu.memory_space<vmem_shared>> -> memref<1x1024xf32, #tpu.memory_space<vmem_shared>>
    %dma_start3A_62 = arith.constant 2 : i32
    %dma_start3A_63 = arith.constant 0 : i32
    %dma_start3A_64 = tpu.memref_slice %arg1[%dma_start3A_62, %dma_start3A_63] : memref<5000x1024xf32, #tpu.memory_space<hbm>> -> memref<1x1024xf32, #tpu.memory_space<hbm>>
    tpu.enqueue_dma source(%dma_start3A_64 : memref<1x1024xf32, #tpu.memory_space<hbm>>) target(%dma_start3A_61 : memref<1x1024xf32, #tpu.memory_space<vmem_shared>>) target_semaphore(%arg5 : memref<!tpu.dma_semaphore, #tpu.memory_space<semaphore_mem>>)
    %dma_start3A_65 = arith.constant 11 : i32
    %dma_start3A_66 = arith.constant 0 : i32
    %dma_start3A_67 = tpu.memref_slice %arg4[%dma_start3A_65, %dma_start3A_66] : memref<22x1024xf32, #tpu.memory_space<vmem_shared>> -> memref<1x1024xf32, #tpu.memory_space<vmem_shared>>
    %dma_start3A_68 = arith.constant 4 : i32
    %dma_start3A_69 = arith.constant 0 : i32
    %dma_start3A_70 = tpu.memref_slice %arg1[%dma_start3A_68, %dma_start3A_69] : memref<5000x1024xf32, #tpu.memory_space<hbm>> -> memref<1x1024xf32, #tpu.memory_space<hbm>>
    tpu.enqueue_dma source(%dma_start3A_70 : memref<1x1024xf32, #tpu.memory_space<hbm>>) target(%dma_start3A_67 : memref<1x1024xf32, #tpu.memory_space<vmem_shared>>) target_semaphore(%arg5 : memref<!tpu.dma_semaphore, #tpu.memory_space<semaphore_mem>>)
    %dma_start3A_71 = arith.constant 12 : i32
    %dma_start3A_72 = arith.constant 0 : i32
    %dma_start3A_73 = tpu.memref_slice %arg4[%dma_start3A_71, %dma_start3A_72] : memref<22x1024xf32, #tpu.memory_space<vmem_shared>> -> memref<1x1024xf32, #tpu.memory_space<vmem_shared>>
    %dma_start3A_74 = arith.constant 3 : i32
    %dma_start3A_75 = arith.constant 0 : i32
    %dma_start3A_76 = tpu.memref_slice %arg1[%dma_start3A_74, %dma_start3A_75] : memref<5000x1024xf32, #tpu.memory_space<hbm>> -> memref<1x1024xf32, #tpu.memory_space<hbm>>
    tpu.enqueue_dma source(%dma_start3A_76 : memref<1x1024xf32, #tpu.memory_space<hbm>>) target(%dma_start3A_73 : memref<1x1024xf32, #tpu.memory_space<vmem_shared>>) target_semaphore(%arg5 : memref<!tpu.dma_semaphore, #tpu.memory_space<semaphore_mem>>)
    %dma_start3A_77 = arith.constant 13 : i32
    %dma_start3A_78 = arith.constant 0 : i32
    %dma_start3A_79 = tpu.memref_slice %arg4[%dma_start3A_77, %dma_start3A_78] : memref<22x1024xf32, #tpu.memory_space<vmem_shared>> -> memref<1x1024xf32, #tpu.memory_space<vmem_shared>>
    %dma_start3A_80 = arith.constant 4 : i32
    %dma_start3A_81 = arith.constant 0 : i32
    %dma_start3A_82 = tpu.memref_slice %arg1[%dma_start3A_80, %dma_start3A_81] : memref<5000x1024xf32, #tpu.memory_space<hbm>> -> memref<1x1024xf32, #tpu.memory_space<hbm>>
    tpu.enqueue_dma source(%dma_start3A_82 : memref<1x1024xf32, #tpu.memory_space<hbm>>) target(%dma_start3A_79 : memref<1x1024xf32, #tpu.memory_space<vmem_shared>>) target_semaphore(%arg5 : memref<!tpu.dma_semaphore, #tpu.memory_space<semaphore_mem>>)
    %dma_start3A_83 = arith.constant 14 : i32
    %dma_start3A_84 = arith.constant 0 : i32
    %dma_start3A_85 = tpu.memref_slice %arg4[%dma_start3A_83, %dma_start3A_84] : memref<22x1024xf32, #tpu.memory_space<vmem_shared>> -> memref<1x1024xf32, #tpu.memory_space<vmem_shared>>
    %dma_start3A_86 = arith.constant 4 : i32
    %dma_start3A_87 = arith.constant 0 : i32
    %dma_start3A_88 = tpu.memref_slice %arg1[%dma_start3A_86, %dma_start3A_87] : memref<5000x1024xf32, #tpu.memory_space<hbm>> -> memref<1x1024xf32, #tpu.memory_space<hbm>>
    tpu.enqueue_dma source(%dma_start3A_88 : memref<1x1024xf32, #tpu.memory_space<hbm>>) target(%dma_start3A_85 : memref<1x1024xf32, #tpu.memory_space<vmem_shared>>) target_semaphore(%arg5 : memref<!tpu.dma_semaphore, #tpu.memory_space<semaphore_mem>>)
    %dma_start3A_89 = arith.constant 15 : i32
    %dma_start3A_90 = arith.constant 0 : i32
    %dma_start3A_91 = tpu.memref_slice %arg4[%dma_start3A_89, %dma_start3A_90] : memref<22x1024xf32, #tpu.memory_space<vmem_shared>> -> memref<1x1024xf32, #tpu.memory_space<vmem_shared>>
    %dma_start3A_92 = arith.constant 4 : i32
    %dma_start3A_93 = arith.constant 0 : i32
    %dma_start3A_94 = tpu.memref_slice %arg1[%dma_start3A_92, %dma_start3A_93] : memref<5000x1024xf32, #tpu.memory_space<hbm>> -> memref<1x1024xf32, #tpu.memory_space<hbm>>
    tpu.enqueue_dma source(%dma_start3A_94 : memref<1x1024xf32, #tpu.memory_space<hbm>>) target(%dma_start3A_91 : memref<1x1024xf32, #tpu.memory_space<vmem_shared>>) target_semaphore(%arg5 : memref<!tpu.dma_semaphore, #tpu.memory_space<semaphore_mem>>)
    %dma_start3A_95 = arith.constant 16 : i32
    %dma_start3A_96 = arith.constant 0 : i32
    %dma_start3A_97 = tpu.memref_slice %arg4[%dma_start3A_95, %dma_start3A_96] : memref<22x1024xf32, #tpu.memory_space<vmem_shared>> -> memref<1x1024xf32, #tpu.memory_space<vmem_shared>>
    %dma_start3A_98 = arith.constant 5 : i32
    %dma_start3A_99 = arith.constant 0 : i32
    %dma_start3A_100 = tpu.memref_slice %arg1[%dma_start3A_98, %dma_start3A_99] : memref<5000x1024xf32, #tpu.memory_space<hbm>> -> memref<1x1024xf32, #tpu.memory_space<hbm>>
    tpu.enqueue_dma source(%dma_start3A_100 : memref<1x1024xf32, #tpu.memory_space<hbm>>) target(%dma_start3A_97 : memref<1x1024xf32, #tpu.memory_space<vmem_shared>>) target_semaphore(%arg5 : memref<!tpu.dma_semaphore, #tpu.memory_space<semaphore_mem>>)
    %dma_start3A_101 = arith.constant 17 : i32
    %dma_start3A_102 = arith.constant 0 : i32
    %dma_start3A_103 = tpu.memref_slice %arg4[%dma_start3A_101, %dma_start3A_102] : memref<22x1024xf32, #tpu.memory_space<vmem_shared>> -> memref<1x1024xf32, #tpu.memory_space<vmem_shared>>
    %dma_start3A_104 = arith.constant 4 : i32
    %dma_start3A_105 = arith.constant 0 : i32
    %dma_start3A_106 = tpu.memref_slice %arg1[%dma_start3A_104, %dma_start3A_105] : memref<5000x1024xf32, #tpu.memory_space<hbm>> -> memref<1x1024xf32, #tpu.memory_space<hbm>>
    tpu.enqueue_dma source(%dma_start3A_106 : memref<1x1024xf32, #tpu.memory_space<hbm>>) target(%dma_start3A_103 : memref<1x1024xf32, #tpu.memory_space<vmem_shared>>) target_semaphore(%arg5 : memref<!tpu.dma_semaphore, #tpu.memory_space<semaphore_mem>>)
    %dma_start3A_107 = arith.constant 18 : i32
    %dma_start3A_108 = arith.constant 0 : i32
    %dma_start3A_109 = tpu.memref_slice %arg4[%dma_start3A_107, %dma_start3A_108] : memref<22x1024xf32, #tpu.memory_space<vmem_shared>> -> memref<1x1024xf32, #tpu.memory_space<vmem_shared>>
    %dma_start3A_110 = arith.constant 2 : i32
    %dma_start3A_111 = arith.constant 0 : i32
    %dma_start3A_112 = tpu.memref_slice %arg1[%dma_start3A_110, %dma_start3A_111] : memref<5000x1024xf32, #tpu.memory_space<hbm>> -> memref<1x1024xf32, #tpu.memory_space<hbm>>
    tpu.enqueue_dma source(%dma_start3A_112 : memref<1x1024xf32, #tpu.memory_space<hbm>>) target(%dma_start3A_109 : memref<1x1024xf32, #tpu.memory_space<vmem_shared>>) target_semaphore(%arg5 : memref<!tpu.dma_semaphore, #tpu.memory_space<semaphore_mem>>)
    %dma_start3A_113 = arith.constant 19 : i32
    %dma_start3A_114 = arith.constant 0 : i32
    %dma_start3A_115 = tpu.memref_slice %arg4[%dma_start3A_113, %dma_start3A_114] : memref<22x1024xf32, #tpu.memory_space<vmem_shared>> -> memref<1x1024xf32, #tpu.memory_space<vmem_shared>>
    %dma_start3A_116 = arith.constant 5 : i32
    %dma_start3A_117 = arith.constant 0 : i32
    %dma_start3A_118 = tpu.memref_slice %arg1[%dma_start3A_116, %dma_start3A_117] : memref<5000x1024xf32, #tpu.memory_space<hbm>> -> memref<1x1024xf32, #tpu.memory_space<hbm>>
    tpu.enqueue_dma source(%dma_start3A_118 : memref<1x1024xf32, #tpu.memory_space<hbm>>) target(%dma_start3A_115 : memref<1x1024xf32, #tpu.memory_space<vmem_shared>>) target_semaphore(%arg5 : memref<!tpu.dma_semaphore, #tpu.memory_space<semaphore_mem>>)
    %dma_start3A_119 = arith.constant 20 : i32
    %dma_start3A_120 = arith.constant 0 : i32
    %dma_start3A_121 = tpu.memref_slice %arg4[%dma_start3A_119, %dma_start3A_120] : memref<22x1024xf32, #tpu.memory_space<vmem_shared>> -> memref<1x1024xf32, #tpu.memory_space<vmem_shared>>
    %dma_start3A_122 = arith.constant 4 : i32
    %dma_start3A_123 = arith.constant 0 : i32
    %dma_start3A_124 = tpu.memref_slice %arg1[%dma_start3A_122, %dma_start3A_123] : memref<5000x1024xf32, #tpu.memory_space<hbm>> -> memref<1x1024xf32, #tpu.memory_space<hbm>>
    tpu.enqueue_dma source(%dma_start3A_124 : memref<1x1024xf32, #tpu.memory_space<hbm>>) target(%dma_start3A_121 : memref<1x1024xf32, #tpu.memory_space<vmem_shared>>) target_semaphore(%arg5 : memref<!tpu.dma_semaphore, #tpu.memory_space<semaphore_mem>>)
    %dma_start3A_125 = arith.constant 21 : i32
    %dma_start3A_126 = arith.constant 0 : i32
    %dma_start3A_127 = tpu.memref_slice %arg4[%dma_start3A_125, %dma_start3A_126] : memref<22x1024xf32, #tpu.memory_space<vmem_shared>> -> memref<1x1024xf32, #tpu.memory_space<vmem_shared>>
    %dma_start3A_128 = arith.constant 5 : i32
    %dma_start3A_129 = arith.constant 0 : i32
    %dma_start3A_130 = tpu.memref_slice %arg1[%dma_start3A_128, %dma_start3A_129] : memref<5000x1024xf32, #tpu.memory_space<hbm>> -> memref<1x1024xf32, #tpu.memory_space<hbm>>
    tpu.enqueue_dma source(%dma_start3A_130 : memref<1x1024xf32, #tpu.memory_space<hbm>>) target(%dma_start3A_127 : memref<1x1024xf32, #tpu.memory_space<vmem_shared>>) target_semaphore(%arg5 : memref<!tpu.dma_semaphore, #tpu.memory_space<semaphore_mem>>)
    "tpu.region"() ({
      %run_scoped3A = tpu.sem_alloc : memref<!tpu.dma_semaphore, #tpu.memory_space<semaphore_mem>>
      %dma_start3A_490 = arith.constant 0 : i32
      %dma_start3A_491 = arith.constant 0 : i32
      %dma_start3A_492 = tpu.memref_slice %arg1[%dma_start3A_490, %dma_start3A_491] : memref<5000x1024xf32, #tpu.memory_space<hbm>> -> memref<8x1024xf32, #tpu.memory_space<hbm>>
      tpu.enqueue_dma source(%dma_start3A_492 : memref<8x1024xf32, #tpu.memory_space<hbm>>) target(%arg3 : memref<8x1024xf32, #tpu.memory_space<vmem_shared>>) target_semaphore(%run_scoped3A : memref<!tpu.dma_semaphore, #tpu.memory_space<semaphore_mem>>)
      %dma_wait3A_493 = arith.constant 0 : i32
      %dma_wait3A_494 = arith.constant 0 : i32
      %dma_wait3A_495 = tpu.memref_slice %arg1[%dma_wait3A_493, %dma_wait3A_494] : memref<5000x1024xf32, #tpu.memory_space<hbm>> -> memref<8x1024xf32, #tpu.memory_space<hbm>>
      tpu.wait_dma2 semaphore(%run_scoped3A : memref<!tpu.dma_semaphore, #tpu.memory_space<semaphore_mem>>) src(%dma_wait3A_495 : memref<8x1024xf32, #tpu.memory_space<hbm>>) dst(%arg3 : memref<8x1024xf32, #tpu.memory_space<vmem_shared>>)
      tpu.yield
    }) : () -> ()
    %dma_start3A_131 = arith.constant 0 : i32
    %dma_start3A_132 = arith.constant 0 : i32
    %dma_start3A_133 = tpu.memref_slice %arg2[%dma_start3A_131, %dma_start3A_132] : memref<38x1024xf32, #tpu.memory_space<hbm>> -> memref<1x1024xf32, #tpu.memory_space<hbm>>
    %dma_start3A_134 = arith.constant 2 : i32
    %dma_start3A_135 = arith.constant 0 : i32
    %dma_start3A_136 = tpu.memref_slice %arg3[%dma_start3A_134, %dma_start3A_135] : memref<8x1024xf32, #tpu.memory_space<vmem_shared>> -> memref<1x1024xf32, #tpu.memory_space<vmem_shared>>
    tpu.enqueue_dma source(%dma_start3A_136 : memref<1x1024xf32, #tpu.memory_space<vmem_shared>>) target(%dma_start3A_133 : memref<1x1024xf32, #tpu.memory_space<hbm>>) target_semaphore(%arg6 : memref<!tpu.dma_semaphore, #tpu.memory_space<semaphore_mem>>)
    %dma_start3A_137 = arith.constant 1 : i32
    %dma_start3A_138 = arith.constant 0 : i32
    %dma_start3A_139 = tpu.memref_slice %arg2[%dma_start3A_137, %dma_start3A_138] : memref<38x1024xf32, #tpu.memory_space<hbm>> -> memref<1x1024xf32, #tpu.memory_space<hbm>>
    %dma_start3A_140 = arith.constant 1 : i32
    %dma_start3A_141 = arith.constant 0 : i32
    %dma_start3A_142 = tpu.memref_slice %arg3[%dma_start3A_140, %dma_start3A_141] : memref<8x1024xf32, #tpu.memory_space<vmem_shared>> -> memref<1x1024xf32, #tpu.memory_space<vmem_shared>>
    tpu.enqueue_dma source(%dma_start3A_142 : memref<1x1024xf32, #tpu.memory_space<vmem_shared>>) target(%dma_start3A_139 : memref<1x1024xf32, #tpu.memory_space<hbm>>) target_semaphore(%arg6 : memref<!tpu.dma_semaphore, #tpu.memory_space<semaphore_mem>>)
    %dma_start3A_143 = arith.constant 2 : i32
    %dma_start3A_144 = arith.constant 0 : i32
    %dma_start3A_145 = tpu.memref_slice %arg2[%dma_start3A_143, %dma_start3A_144] : memref<38x1024xf32, #tpu.memory_space<hbm>> -> memref<1x1024xf32, #tpu.memory_space<hbm>>
    %dma_start3A_146 = arith.constant 4 : i32
    %dma_start3A_147 = arith.constant 0 : i32
    %dma_start3A_148 = tpu.memref_slice %arg3[%dma_start3A_146, %dma_start3A_147] : memref<8x1024xf32, #tpu.memory_space<vmem_shared>> -> memref<1x1024xf32, #tpu.memory_space<vmem_shared>>
    tpu.enqueue_dma source(%dma_start3A_148 : memref<1x1024xf32, #tpu.memory_space<vmem_shared>>) target(%dma_start3A_145 : memref<1x1024xf32, #tpu.memory_space<hbm>>) target_semaphore(%arg6 : memref<!tpu.dma_semaphore, #tpu.memory_space<semaphore_mem>>)
    %dma_start3A_149 = arith.constant 3 : i32
    %dma_start3A_150 = arith.constant 0 : i32
    %dma_start3A_151 = tpu.memref_slice %arg2[%dma_start3A_149, %dma_start3A_150] : memref<38x1024xf32, #tpu.memory_space<hbm>> -> memref<1x1024xf32, #tpu.memory_space<hbm>>
    %dma_start3A_152 = arith.constant 1 : i32
    %dma_start3A_153 = arith.constant 0 : i32
    %dma_start3A_154 = tpu.memref_slice %arg3[%dma_start3A_152, %dma_start3A_153] : memref<8x1024xf32, #tpu.memory_space<vmem_shared>> -> memref<1x1024xf32, #tpu.memory_space<vmem_shared>>
    tpu.enqueue_dma source(%dma_start3A_154 : memref<1x1024xf32, #tpu.memory_space<vmem_shared>>) target(%dma_start3A_151 : memref<1x1024xf32, #tpu.memory_space<hbm>>) target_semaphore(%arg6 : memref<!tpu.dma_semaphore, #tpu.memory_space<semaphore_mem>>)
    %dma_start3A_155 = arith.constant 4 : i32
    %dma_start3A_156 = arith.constant 0 : i32
    %dma_start3A_157 = tpu.memref_slice %arg2[%dma_start3A_155, %dma_start3A_156] : memref<38x1024xf32, #tpu.memory_space<hbm>> -> memref<1x1024xf32, #tpu.memory_space<hbm>>
    %dma_start3A_158 = arith.constant 1 : i32
    %dma_start3A_159 = arith.constant 0 : i32
    %dma_start3A_160 = tpu.memref_slice %arg3[%dma_start3A_158, %dma_start3A_159] : memref<8x1024xf32, #tpu.memory_space<vmem_shared>> -> memref<1x1024xf32, #tpu.memory_space<vmem_shared>>
    tpu.enqueue_dma source(%dma_start3A_160 : memref<1x1024xf32, #tpu.memory_space<vmem_shared>>) target(%dma_start3A_157 : memref<1x1024xf32, #tpu.memory_space<hbm>>) target_semaphore(%arg6 : memref<!tpu.dma_semaphore, #tpu.memory_space<semaphore_mem>>)
    %dma_start3A_161 = arith.constant 5 : i32
    %dma_start3A_162 = arith.constant 0 : i32
    %dma_start3A_163 = tpu.memref_slice %arg2[%dma_start3A_161, %dma_start3A_162] : memref<38x1024xf32, #tpu.memory_space<hbm>> -> memref<1x1024xf32, #tpu.memory_space<hbm>>
    %dma_start3A_164 = arith.constant 2 : i32
    %dma_start3A_165 = arith.constant 0 : i32
    %dma_start3A_166 = tpu.memref_slice %arg3[%dma_start3A_164, %dma_start3A_165] : memref<8x1024xf32, #tpu.memory_space<vmem_shared>> -> memref<1x1024xf32, #tpu.memory_space<vmem_shared>>
    tpu.enqueue_dma source(%dma_start3A_166 : memref<1x1024xf32, #tpu.memory_space<vmem_shared>>) target(%dma_start3A_163 : memref<1x1024xf32, #tpu.memory_space<hbm>>) target_semaphore(%arg6 : memref<!tpu.dma_semaphore, #tpu.memory_space<semaphore_mem>>)
    %dma_start3A_167 = arith.constant 6 : i32
    %dma_start3A_168 = arith.constant 0 : i32
    %dma_start3A_169 = tpu.memref_slice %arg2[%dma_start3A_167, %dma_start3A_168] : memref<38x1024xf32, #tpu.memory_space<hbm>> -> memref<1x1024xf32, #tpu.memory_space<hbm>>
    %dma_start3A_170 = arith.constant 2 : i32
    %dma_start3A_171 = arith.constant 0 : i32
    %dma_start3A_172 = tpu.memref_slice %arg3[%dma_start3A_170, %dma_start3A_171] : memref<8x1024xf32, #tpu.memory_space<vmem_shared>> -> memref<1x1024xf32, #tpu.memory_space<vmem_shared>>
    tpu.enqueue_dma source(%dma_start3A_172 : memref<1x1024xf32, #tpu.memory_space<vmem_shared>>) target(%dma_start3A_169 : memref<1x1024xf32, #tpu.memory_space<hbm>>) target_semaphore(%arg6 : memref<!tpu.dma_semaphore, #tpu.memory_space<semaphore_mem>>)
    %dma_start3A_173 = arith.constant 7 : i32
    %dma_start3A_174 = arith.constant 0 : i32
    %dma_start3A_175 = tpu.memref_slice %arg2[%dma_start3A_173, %dma_start3A_174] : memref<38x1024xf32, #tpu.memory_space<hbm>> -> memref<1x1024xf32, #tpu.memory_space<hbm>>
    %dma_start3A_176 = arith.constant 2 : i32
    %dma_start3A_177 = arith.constant 0 : i32
    %dma_start3A_178 = tpu.memref_slice %arg3[%dma_start3A_176, %dma_start3A_177] : memref<8x1024xf32, #tpu.memory_space<vmem_shared>> -> memref<1x1024xf32, #tpu.memory_space<vmem_shared>>
    tpu.enqueue_dma source(%dma_start3A_178 : memref<1x1024xf32, #tpu.memory_space<vmem_shared>>) target(%dma_start3A_175 : memref<1x1024xf32, #tpu.memory_space<hbm>>) target_semaphore(%arg6 : memref<!tpu.dma_semaphore, #tpu.memory_space<semaphore_mem>>)
    %dma_start3A_179 = arith.constant 8 : i32
    %dma_start3A_180 = arith.constant 0 : i32
    %dma_start3A_181 = tpu.memref_slice %arg2[%dma_start3A_179, %dma_start3A_180] : memref<38x1024xf32, #tpu.memory_space<hbm>> -> memref<1x1024xf32, #tpu.memory_space<hbm>>
    %dma_start3A_182 = arith.constant 3 : i32
    %dma_start3A_183 = arith.constant 0 : i32
    %dma_start3A_184 = tpu.memref_slice %arg3[%dma_start3A_182, %dma_start3A_183] : memref<8x1024xf32, #tpu.memory_space<vmem_shared>> -> memref<1x1024xf32, #tpu.memory_space<vmem_shared>>
    tpu.enqueue_dma source(%dma_start3A_184 : memref<1x1024xf32, #tpu.memory_space<vmem_shared>>) target(%dma_start3A_181 : memref<1x1024xf32, #tpu.memory_space<hbm>>) target_semaphore(%arg6 : memref<!tpu.dma_semaphore, #tpu.memory_space<semaphore_mem>>)
    %dma_start3A_185 = arith.constant 9 : i32
    %dma_start3A_186 = arith.constant 0 : i32
    %dma_start3A_187 = tpu.memref_slice %arg2[%dma_start3A_185, %dma_start3A_186] : memref<38x1024xf32, #tpu.memory_space<hbm>> -> memref<1x1024xf32, #tpu.memory_space<hbm>>
    %dma_start3A_188 = arith.constant 2 : i32
    %dma_start3A_189 = arith.constant 0 : i32
    %dma_start3A_190 = tpu.memref_slice %arg3[%dma_start3A_188, %dma_start3A_189] : memref<8x1024xf32, #tpu.memory_space<vmem_shared>> -> memref<1x1024xf32, #tpu.memory_space<vmem_shared>>
    tpu.enqueue_dma source(%dma_start3A_190 : memref<1x1024xf32, #tpu.memory_space<vmem_shared>>) target(%dma_start3A_187 : memref<1x1024xf32, #tpu.memory_space<hbm>>) target_semaphore(%arg6 : memref<!tpu.dma_semaphore, #tpu.memory_space<semaphore_mem>>)
    %dma_start3A_191 = arith.constant 10 : i32
    %dma_start3A_192 = arith.constant 0 : i32
    %dma_start3A_193 = tpu.memref_slice %arg2[%dma_start3A_191, %dma_start3A_192] : memref<38x1024xf32, #tpu.memory_space<hbm>> -> memref<1x1024xf32, #tpu.memory_space<hbm>>
    %dma_start3A_194 = arith.constant 4 : i32
    %dma_start3A_195 = arith.constant 0 : i32
    %dma_start3A_196 = tpu.memref_slice %arg3[%dma_start3A_194, %dma_start3A_195] : memref<8x1024xf32, #tpu.memory_space<vmem_shared>> -> memref<1x1024xf32, #tpu.memory_space<vmem_shared>>
    tpu.enqueue_dma source(%dma_start3A_196 : memref<1x1024xf32, #tpu.memory_space<vmem_shared>>) target(%dma_start3A_193 : memref<1x1024xf32, #tpu.memory_space<hbm>>) target_semaphore(%arg6 : memref<!tpu.dma_semaphore, #tpu.memory_space<semaphore_mem>>)
    %dma_start3A_197 = arith.constant 11 : i32
    %dma_start3A_198 = arith.constant 0 : i32
    %dma_start3A_199 = tpu.memref_slice %arg2[%dma_start3A_197, %dma_start3A_198] : memref<38x1024xf32, #tpu.memory_space<hbm>> -> memref<1x1024xf32, #tpu.memory_space<hbm>>
    %dma_start3A_200 = arith.constant 2 : i32
    %dma_start3A_201 = arith.constant 0 : i32
    %dma_start3A_202 = tpu.memref_slice %arg3[%dma_start3A_200, %dma_start3A_201] : memref<8x1024xf32, #tpu.memory_space<vmem_shared>> -> memref<1x1024xf32, #tpu.memory_space<vmem_shared>>
    tpu.enqueue_dma source(%dma_start3A_202 : memref<1x1024xf32, #tpu.memory_space<vmem_shared>>) target(%dma_start3A_199 : memref<1x1024xf32, #tpu.memory_space<hbm>>) target_semaphore(%arg6 : memref<!tpu.dma_semaphore, #tpu.memory_space<semaphore_mem>>)
    %dma_start3A_203 = arith.constant 12 : i32
    %dma_start3A_204 = arith.constant 0 : i32
    %dma_start3A_205 = tpu.memref_slice %arg2[%dma_start3A_203, %dma_start3A_204] : memref<38x1024xf32, #tpu.memory_space<hbm>> -> memref<1x1024xf32, #tpu.memory_space<hbm>>
    %dma_start3A_206 = arith.constant 5 : i32
    %dma_start3A_207 = arith.constant 0 : i32
    %dma_start3A_208 = tpu.memref_slice %arg3[%dma_start3A_206, %dma_start3A_207] : memref<8x1024xf32, #tpu.memory_space<vmem_shared>> -> memref<1x1024xf32, #tpu.memory_space<vmem_shared>>
    tpu.enqueue_dma source(%dma_start3A_208 : memref<1x1024xf32, #tpu.memory_space<vmem_shared>>) target(%dma_start3A_205 : memref<1x1024xf32, #tpu.memory_space<hbm>>) target_semaphore(%arg6 : memref<!tpu.dma_semaphore, #tpu.memory_space<semaphore_mem>>)
    %dma_start3A_209 = arith.constant 13 : i32
    %dma_start3A_210 = arith.constant 0 : i32
    %dma_start3A_211 = tpu.memref_slice %arg2[%dma_start3A_209, %dma_start3A_210] : memref<38x1024xf32, #tpu.memory_space<hbm>> -> memref<1x1024xf32, #tpu.memory_space<hbm>>
    %dma_start3A_212 = arith.constant 2 : i32
    %dma_start3A_213 = arith.constant 0 : i32
    %dma_start3A_214 = tpu.memref_slice %arg3[%dma_start3A_212, %dma_start3A_213] : memref<8x1024xf32, #tpu.memory_space<vmem_shared>> -> memref<1x1024xf32, #tpu.memory_space<vmem_shared>>
    tpu.enqueue_dma source(%dma_start3A_214 : memref<1x1024xf32, #tpu.memory_space<vmem_shared>>) target(%dma_start3A_211 : memref<1x1024xf32, #tpu.memory_space<hbm>>) target_semaphore(%arg6 : memref<!tpu.dma_semaphore, #tpu.memory_space<semaphore_mem>>)
    %dma_start3A_215 = arith.constant 14 : i32
    %dma_start3A_216 = arith.constant 0 : i32
    %dma_start3A_217 = tpu.memref_slice %arg2[%dma_start3A_215, %dma_start3A_216] : memref<38x1024xf32, #tpu.memory_space<hbm>> -> memref<1x1024xf32, #tpu.memory_space<hbm>>
    %dma_start3A_218 = arith.constant 1 : i32
    %dma_start3A_219 = arith.constant 0 : i32
    %dma_start3A_220 = tpu.memref_slice %arg3[%dma_start3A_218, %dma_start3A_219] : memref<8x1024xf32, #tpu.memory_space<vmem_shared>> -> memref<1x1024xf32, #tpu.memory_space<vmem_shared>>
    tpu.enqueue_dma source(%dma_start3A_220 : memref<1x1024xf32, #tpu.memory_space<vmem_shared>>) target(%dma_start3A_217 : memref<1x1024xf32, #tpu.memory_space<hbm>>) target_semaphore(%arg6 : memref<!tpu.dma_semaphore, #tpu.memory_space<semaphore_mem>>)
    %dma_start3A_221 = arith.constant 15 : i32
    %dma_start3A_222 = arith.constant 0 : i32
    %dma_start3A_223 = tpu.memref_slice %arg2[%dma_start3A_221, %dma_start3A_222] : memref<38x1024xf32, #tpu.memory_space<hbm>> -> memref<1x1024xf32, #tpu.memory_space<hbm>>
    %dma_start3A_224 = arith.constant 3 : i32
    %dma_start3A_225 = arith.constant 0 : i32
    %dma_start3A_226 = tpu.memref_slice %arg3[%dma_start3A_224, %dma_start3A_225] : memref<8x1024xf32, #tpu.memory_space<vmem_shared>> -> memref<1x1024xf32, #tpu.memory_space<vmem_shared>>
    tpu.enqueue_dma source(%dma_start3A_226 : memref<1x1024xf32, #tpu.memory_space<vmem_shared>>) target(%dma_start3A_223 : memref<1x1024xf32, #tpu.memory_space<hbm>>) target_semaphore(%arg6 : memref<!tpu.dma_semaphore, #tpu.memory_space<semaphore_mem>>)
    %dma_wait3A = arith.constant 0 : i32
    %dma_wait3A_227 = arith.constant 0 : i32
    %dma_wait3A_228 = tpu.memref_slice %arg4[%dma_wait3A, %dma_wait3A_227] : memref<22x1024xf32, #tpu.memory_space<vmem_shared>> -> memref<1x1024xf32, #tpu.memory_space<vmem_shared>>
    %dma_wait3A_229 = arith.constant 2 : i32
    %dma_wait3A_230 = arith.constant 0 : i32
    %dma_wait3A_231 = tpu.memref_slice %arg1[%dma_wait3A_229, %dma_wait3A_230] : memref<5000x1024xf32, #tpu.memory_space<hbm>> -> memref<1x1024xf32, #tpu.memory_space<hbm>>
    tpu.wait_dma2 semaphore(%arg5 : memref<!tpu.dma_semaphore, #tpu.memory_space<semaphore_mem>>) src(%dma_wait3A_231 : memref<1x1024xf32, #tpu.memory_space<hbm>>) dst(%dma_wait3A_228 : memref<1x1024xf32, #tpu.memory_space<vmem_shared>>)
    %dma_wait3A_232 = arith.constant 1 : i32
    %dma_wait3A_233 = arith.constant 0 : i32
    %dma_wait3A_234 = tpu.memref_slice %arg4[%dma_wait3A_232, %dma_wait3A_233] : memref<22x1024xf32, #tpu.memory_space<vmem_shared>> -> memref<1x1024xf32, #tpu.memory_space<vmem_shared>>
    %dma_wait3A_235 = arith.constant 3 : i32
    %dma_wait3A_236 = arith.constant 0 : i32
    %dma_wait3A_237 = tpu.memref_slice %arg1[%dma_wait3A_235, %dma_wait3A_236] : memref<5000x1024xf32, #tpu.memory_space<hbm>> -> memref<1x1024xf32, #tpu.memory_space<hbm>>
    tpu.wait_dma2 semaphore(%arg5 : memref<!tpu.dma_semaphore, #tpu.memory_space<semaphore_mem>>) src(%dma_wait3A_237 : memref<1x1024xf32, #tpu.memory_space<hbm>>) dst(%dma_wait3A_234 : memref<1x1024xf32, #tpu.memory_space<vmem_shared>>)
    %dma_wait3A_238 = arith.constant 2 : i32
    %dma_wait3A_239 = arith.constant 0 : i32
    %dma_wait3A_240 = tpu.memref_slice %arg4[%dma_wait3A_238, %dma_wait3A_239] : memref<22x1024xf32, #tpu.memory_space<vmem_shared>> -> memref<1x1024xf32, #tpu.memory_space<vmem_shared>>
    %dma_wait3A_241 = arith.constant 3 : i32
    %dma_wait3A_242 = arith.constant 0 : i32
    %dma_wait3A_243 = tpu.memref_slice %arg1[%dma_wait3A_241, %dma_wait3A_242] : memref<5000x1024xf32, #tpu.memory_space<hbm>> -> memref<1x1024xf32, #tpu.memory_space<hbm>>
    tpu.wait_dma2 semaphore(%arg5 : memref<!tpu.dma_semaphore, #tpu.memory_space<semaphore_mem>>) src(%dma_wait3A_243 : memref<1x1024xf32, #tpu.memory_space<hbm>>) dst(%dma_wait3A_240 : memref<1x1024xf32, #tpu.memory_space<vmem_shared>>)
    %dma_wait3A_244 = arith.constant 3 : i32
    %dma_wait3A_245 = arith.constant 0 : i32
    %dma_wait3A_246 = tpu.memref_slice %arg4[%dma_wait3A_244, %dma_wait3A_245] : memref<22x1024xf32, #tpu.memory_space<vmem_shared>> -> memref<1x1024xf32, #tpu.memory_space<vmem_shared>>
    %dma_wait3A_247 = arith.constant 3 : i32
    %dma_wait3A_248 = arith.constant 0 : i32
    %dma_wait3A_249 = tpu.memref_slice %arg1[%dma_wait3A_247, %dma_wait3A_248] : memref<5000x1024xf32, #tpu.memory_space<hbm>> -> memref<1x1024xf32, #tpu.memory_space<hbm>>
    tpu.wait_dma2 semaphore(%arg5 : memref<!tpu.dma_semaphore, #tpu.memory_space<semaphore_mem>>) src(%dma_wait3A_249 : memref<1x1024xf32, #tpu.memory_space<hbm>>) dst(%dma_wait3A_246 : memref<1x1024xf32, #tpu.memory_space<vmem_shared>>)
    %dma_wait3A_250 = arith.constant 4 : i32
    %dma_wait3A_251 = arith.constant 0 : i32
    %dma_wait3A_252 = tpu.memref_slice %arg4[%dma_wait3A_250, %dma_wait3A_251] : memref<22x1024xf32, #tpu.memory_space<vmem_shared>> -> memref<1x1024xf32, #tpu.memory_space<vmem_shared>>
    %dma_wait3A_253 = arith.constant 4 : i32
    %dma_wait3A_254 = arith.constant 0 : i32
    %dma_wait3A_255 = tpu.memref_slice %arg1[%dma_wait3A_253, %dma_wait3A_254] : memref<5000x1024xf32, #tpu.memory_space<hbm>> -> memref<1x1024xf32, #tpu.memory_space<hbm>>
    tpu.wait_dma2 semaphore(%arg5 : memref<!tpu.dma_semaphore, #tpu.memory_space<semaphore_mem>>) src(%dma_wait3A_255 : memref<1x1024xf32, #tpu.memory_space<hbm>>) dst(%dma_wait3A_252 : memref<1x1024xf32, #tpu.memory_space<vmem_shared>>)
    %dma_wait3A_256 = arith.constant 5 : i32
    %dma_wait3A_257 = arith.constant 0 : i32
    %dma_wait3A_258 = tpu.memref_slice %arg4[%dma_wait3A_256, %dma_wait3A_257] : memref<22x1024xf32, #tpu.memory_space<vmem_shared>> -> memref<1x1024xf32, #tpu.memory_space<vmem_shared>>
    %dma_wait3A_259 = arith.constant 3 : i32
    %dma_wait3A_260 = arith.constant 0 : i32
    %dma_wait3A_261 = tpu.memref_slice %arg1[%dma_wait3A_259, %dma_wait3A_260] : memref<5000x1024xf32, #tpu.memory_space<hbm>> -> memref<1x1024xf32, #tpu.memory_space<hbm>>
    tpu.wait_dma2 semaphore(%arg5 : memref<!tpu.dma_semaphore, #tpu.memory_space<semaphore_mem>>) src(%dma_wait3A_261 : memref<1x1024xf32, #tpu.memory_space<hbm>>) dst(%dma_wait3A_258 : memref<1x1024xf32, #tpu.memory_space<vmem_shared>>)
    %dma_wait3A_262 = arith.constant 6 : i32
    %dma_wait3A_263 = arith.constant 0 : i32
    %dma_wait3A_264 = tpu.memref_slice %arg4[%dma_wait3A_262, %dma_wait3A_263] : memref<22x1024xf32, #tpu.memory_space<vmem_shared>> -> memref<1x1024xf32, #tpu.memory_space<vmem_shared>>
    %dma_wait3A_265 = arith.constant 5 : i32
    %dma_wait3A_266 = arith.constant 0 : i32
    %dma_wait3A_267 = tpu.memref_slice %arg1[%dma_wait3A_265, %dma_wait3A_266] : memref<5000x1024xf32, #tpu.memory_space<hbm>> -> memref<1x1024xf32, #tpu.memory_space<hbm>>
    tpu.wait_dma2 semaphore(%arg5 : memref<!tpu.dma_semaphore, #tpu.memory_space<semaphore_mem>>) src(%dma_wait3A_267 : memref<1x1024xf32, #tpu.memory_space<hbm>>) dst(%dma_wait3A_264 : memref<1x1024xf32, #tpu.memory_space<vmem_shared>>)
    %dma_wait3A_268 = arith.constant 7 : i32
    %dma_wait3A_269 = arith.constant 0 : i32
    %dma_wait3A_270 = tpu.memref_slice %arg4[%dma_wait3A_268, %dma_wait3A_269] : memref<22x1024xf32, #tpu.memory_space<vmem_shared>> -> memref<1x1024xf32, #tpu.memory_space<vmem_shared>>
    %dma_wait3A_271 = arith.constant 3 : i32
    %dma_wait3A_272 = arith.constant 0 : i32
    %dma_wait3A_273 = tpu.memref_slice %arg1[%dma_wait3A_271, %dma_wait3A_272] : memref<5000x1024xf32, #tpu.memory_space<hbm>> -> memref<1x1024xf32, #tpu.memory_space<hbm>>
    tpu.wait_dma2 semaphore(%arg5 : memref<!tpu.dma_semaphore, #tpu.memory_space<semaphore_mem>>) src(%dma_wait3A_273 : memref<1x1024xf32, #tpu.memory_space<hbm>>) dst(%dma_wait3A_270 : memref<1x1024xf32, #tpu.memory_space<vmem_shared>>)
    %dma_wait3A_274 = arith.constant 8 : i32
    %dma_wait3A_275 = arith.constant 0 : i32
    %dma_wait3A_276 = tpu.memref_slice %arg4[%dma_wait3A_274, %dma_wait3A_275] : memref<22x1024xf32, #tpu.memory_space<vmem_shared>> -> memref<1x1024xf32, #tpu.memory_space<vmem_shared>>
    %dma_wait3A_277 = arith.constant 1 : i32
    %dma_wait3A_278 = arith.constant 0 : i32
    %dma_wait3A_279 = tpu.memref_slice %arg1[%dma_wait3A_277, %dma_wait3A_278] : memref<5000x1024xf32, #tpu.memory_space<hbm>> -> memref<1x1024xf32, #tpu.memory_space<hbm>>
    tpu.wait_dma2 semaphore(%arg5 : memref<!tpu.dma_semaphore, #tpu.memory_space<semaphore_mem>>) src(%dma_wait3A_279 : memref<1x1024xf32, #tpu.memory_space<hbm>>) dst(%dma_wait3A_276 : memref<1x1024xf32, #tpu.memory_space<vmem_shared>>)
    %dma_wait3A_280 = arith.constant 9 : i32
    %dma_wait3A_281 = arith.constant 0 : i32
    %dma_wait3A_282 = tpu.memref_slice %arg4[%dma_wait3A_280, %dma_wait3A_281] : memref<22x1024xf32, #tpu.memory_space<vmem_shared>> -> memref<1x1024xf32, #tpu.memory_space<vmem_shared>>
    %dma_wait3A_283 = arith.constant 4 : i32
    %dma_wait3A_284 = arith.constant 0 : i32
    %dma_wait3A_285 = tpu.memref_slice %arg1[%dma_wait3A_283, %dma_wait3A_284] : memref<5000x1024xf32, #tpu.memory_space<hbm>> -> memref<1x1024xf32, #tpu.memory_space<hbm>>
    tpu.wait_dma2 semaphore(%arg5 : memref<!tpu.dma_semaphore, #tpu.memory_space<semaphore_mem>>) src(%dma_wait3A_285 : memref<1x1024xf32, #tpu.memory_space<hbm>>) dst(%dma_wait3A_282 : memref<1x1024xf32, #tpu.memory_space<vmem_shared>>)
    %dma_wait3A_286 = arith.constant 10 : i32
    %dma_wait3A_287 = arith.constant 0 : i32
    %dma_wait3A_288 = tpu.memref_slice %arg4[%dma_wait3A_286, %dma_wait3A_287] : memref<22x1024xf32, #tpu.memory_space<vmem_shared>> -> memref<1x1024xf32, #tpu.memory_space<vmem_shared>>
    %dma_wait3A_289 = arith.constant 2 : i32
    %dma_wait3A_290 = arith.constant 0 : i32
    %dma_wait3A_291 = tpu.memref_slice %arg1[%dma_wait3A_289, %dma_wait3A_290] : memref<5000x1024xf32, #tpu.memory_space<hbm>> -> memref<1x1024xf32, #tpu.memory_space<hbm>>
    tpu.wait_dma2 semaphore(%arg5 : memref<!tpu.dma_semaphore, #tpu.memory_space<semaphore_mem>>) src(%dma_wait3A_291 : memref<1x1024xf32, #tpu.memory_space<hbm>>) dst(%dma_wait3A_288 : memref<1x1024xf32, #tpu.memory_space<vmem_shared>>)
    %dma_wait3A_292 = arith.constant 11 : i32
    %dma_wait3A_293 = arith.constant 0 : i32
    %dma_wait3A_294 = tpu.memref_slice %arg4[%dma_wait3A_292, %dma_wait3A_293] : memref<22x1024xf32, #tpu.memory_space<vmem_shared>> -> memref<1x1024xf32, #tpu.memory_space<vmem_shared>>
    %dma_wait3A_295 = arith.constant 4 : i32
    %dma_wait3A_296 = arith.constant 0 : i32
    %dma_wait3A_297 = tpu.memref_slice %arg1[%dma_wait3A_295, %dma_wait3A_296] : memref<5000x1024xf32, #tpu.memory_space<hbm>> -> memref<1x1024xf32, #tpu.memory_space<hbm>>
    tpu.wait_dma2 semaphore(%arg5 : memref<!tpu.dma_semaphore, #tpu.memory_space<semaphore_mem>>) src(%dma_wait3A_297 : memref<1x1024xf32, #tpu.memory_space<hbm>>) dst(%dma_wait3A_294 : memref<1x1024xf32, #tpu.memory_space<vmem_shared>>)
    %dma_wait3A_298 = arith.constant 12 : i32
    %dma_wait3A_299 = arith.constant 0 : i32
    %dma_wait3A_300 = tpu.memref_slice %arg4[%dma_wait3A_298, %dma_wait3A_299] : memref<22x1024xf32, #tpu.memory_space<vmem_shared>> -> memref<1x1024xf32, #tpu.memory_space<vmem_shared>>
    %dma_wait3A_301 = arith.constant 3 : i32
    %dma_wait3A_302 = arith.constant 0 : i32
    %dma_wait3A_303 = tpu.memref_slice %arg1[%dma_wait3A_301, %dma_wait3A_302] : memref<5000x1024xf32, #tpu.memory_space<hbm>> -> memref<1x1024xf32, #tpu.memory_space<hbm>>
    tpu.wait_dma2 semaphore(%arg5 : memref<!tpu.dma_semaphore, #tpu.memory_space<semaphore_mem>>) src(%dma_wait3A_303 : memref<1x1024xf32, #tpu.memory_space<hbm>>) dst(%dma_wait3A_300 : memref<1x1024xf32, #tpu.memory_space<vmem_shared>>)
    %dma_wait3A_304 = arith.constant 13 : i32
    %dma_wait3A_305 = arith.constant 0 : i32
    %dma_wait3A_306 = tpu.memref_slice %arg4[%dma_wait3A_304, %dma_wait3A_305] : memref<22x1024xf32, #tpu.memory_space<vmem_shared>> -> memref<1x1024xf32, #tpu.memory_space<vmem_shared>>
    %dma_wait3A_307 = arith.constant 4 : i32
    %dma_wait3A_308 = arith.constant 0 : i32
    %dma_wait3A_309 = tpu.memref_slice %arg1[%dma_wait3A_307, %dma_wait3A_308] : memref<5000x1024xf32, #tpu.memory_space<hbm>> -> memref<1x1024xf32, #tpu.memory_space<hbm>>
    tpu.wait_dma2 semaphore(%arg5 : memref<!tpu.dma_semaphore, #tpu.memory_space<semaphore_mem>>) src(%dma_wait3A_309 : memref<1x1024xf32, #tpu.memory_space<hbm>>) dst(%dma_wait3A_306 : memref<1x1024xf32, #tpu.memory_space<vmem_shared>>)
    %dma_wait3A_310 = arith.constant 14 : i32
    %dma_wait3A_311 = arith.constant 0 : i32
    %dma_wait3A_312 = tpu.memref_slice %arg4[%dma_wait3A_310, %dma_wait3A_311] : memref<22x1024xf32, #tpu.memory_space<vmem_shared>> -> memref<1x1024xf32, #tpu.memory_space<vmem_shared>>
    %dma_wait3A_313 = arith.constant 4 : i32
    %dma_wait3A_314 = arith.constant 0 : i32
    %dma_wait3A_315 = tpu.memref_slice %arg1[%dma_wait3A_313, %dma_wait3A_314] : memref<5000x1024xf32, #tpu.memory_space<hbm>> -> memref<1x1024xf32, #tpu.memory_space<hbm>>
    tpu.wait_dma2 semaphore(%arg5 : memref<!tpu.dma_semaphore, #tpu.memory_space<semaphore_mem>>) src(%dma_wait3A_315 : memref<1x1024xf32, #tpu.memory_space<hbm>>) dst(%dma_wait3A_312 : memref<1x1024xf32, #tpu.memory_space<vmem_shared>>)
    %dma_wait3A_316 = arith.constant 15 : i32
    %dma_wait3A_317 = arith.constant 0 : i32
    %dma_wait3A_318 = tpu.memref_slice %arg4[%dma_wait3A_316, %dma_wait3A_317] : memref<22x1024xf32, #tpu.memory_space<vmem_shared>> -> memref<1x1024xf32, #tpu.memory_space<vmem_shared>>
    %dma_wait3A_319 = arith.constant 4 : i32
    %dma_wait3A_320 = arith.constant 0 : i32
    %dma_wait3A_321 = tpu.memref_slice %arg1[%dma_wait3A_319, %dma_wait3A_320] : memref<5000x1024xf32, #tpu.memory_space<hbm>> -> memref<1x1024xf32, #tpu.memory_space<hbm>>
    tpu.wait_dma2 semaphore(%arg5 : memref<!tpu.dma_semaphore, #tpu.memory_space<semaphore_mem>>) src(%dma_wait3A_321 : memref<1x1024xf32, #tpu.memory_space<hbm>>) dst(%dma_wait3A_318 : memref<1x1024xf32, #tpu.memory_space<vmem_shared>>)
    %dma_wait3A_322 = arith.constant 16 : i32
    %dma_wait3A_323 = arith.constant 0 : i32
    %dma_wait3A_324 = tpu.memref_slice %arg4[%dma_wait3A_322, %dma_wait3A_323] : memref<22x1024xf32, #tpu.memory_space<vmem_shared>> -> memref<1x1024xf32, #tpu.memory_space<vmem_shared>>
    %dma_wait3A_325 = arith.constant 5 : i32
    %dma_wait3A_326 = arith.constant 0 : i32
    %dma_wait3A_327 = tpu.memref_slice %arg1[%dma_wait3A_325, %dma_wait3A_326] : memref<5000x1024xf32, #tpu.memory_space<hbm>> -> memref<1x1024xf32, #tpu.memory_space<hbm>>
    tpu.wait_dma2 semaphore(%arg5 : memref<!tpu.dma_semaphore, #tpu.memory_space<semaphore_mem>>) src(%dma_wait3A_327 : memref<1x1024xf32, #tpu.memory_space<hbm>>) dst(%dma_wait3A_324 : memref<1x1024xf32, #tpu.memory_space<vmem_shared>>)
    %dma_wait3A_328 = arith.constant 17 : i32
    %dma_wait3A_329 = arith.constant 0 : i32
    %dma_wait3A_330 = tpu.memref_slice %arg4[%dma_wait3A_328, %dma_wait3A_329] : memref<22x1024xf32, #tpu.memory_space<vmem_shared>> -> memref<1x1024xf32, #tpu.memory_space<vmem_shared>>
    %dma_wait3A_331 = arith.constant 4 : i32
    %dma_wait3A_332 = arith.constant 0 : i32
    %dma_wait3A_333 = tpu.memref_slice %arg1[%dma_wait3A_331, %dma_wait3A_332] : memref<5000x1024xf32, #tpu.memory_space<hbm>> -> memref<1x1024xf32, #tpu.memory_space<hbm>>
    tpu.wait_dma2 semaphore(%arg5 : memref<!tpu.dma_semaphore, #tpu.memory_space<semaphore_mem>>) src(%dma_wait3A_333 : memref<1x1024xf32, #tpu.memory_space<hbm>>) dst(%dma_wait3A_330 : memref<1x1024xf32, #tpu.memory_space<vmem_shared>>)
    %dma_wait3A_334 = arith.constant 18 : i32
    %dma_wait3A_335 = arith.constant 0 : i32
    %dma_wait3A_336 = tpu.memref_slice %arg4[%dma_wait3A_334, %dma_wait3A_335] : memref<22x1024xf32, #tpu.memory_space<vmem_shared>> -> memref<1x1024xf32, #tpu.memory_space<vmem_shared>>
    %dma_wait3A_337 = arith.constant 2 : i32
    %dma_wait3A_338 = arith.constant 0 : i32
    %dma_wait3A_339 = tpu.memref_slice %arg1[%dma_wait3A_337, %dma_wait3A_338] : memref<5000x1024xf32, #tpu.memory_space<hbm>> -> memref<1x1024xf32, #tpu.memory_space<hbm>>
    tpu.wait_dma2 semaphore(%arg5 : memref<!tpu.dma_semaphore, #tpu.memory_space<semaphore_mem>>) src(%dma_wait3A_339 : memref<1x1024xf32, #tpu.memory_space<hbm>>) dst(%dma_wait3A_336 : memref<1x1024xf32, #tpu.memory_space<vmem_shared>>)
    %dma_wait3A_340 = arith.constant 19 : i32
    %dma_wait3A_341 = arith.constant 0 : i32
    %dma_wait3A_342 = tpu.memref_slice %arg4[%dma_wait3A_340, %dma_wait3A_341] : memref<22x1024xf32, #tpu.memory_space<vmem_shared>> -> memref<1x1024xf32, #tpu.memory_space<vmem_shared>>
    %dma_wait3A_343 = arith.constant 5 : i32
    %dma_wait3A_344 = arith.constant 0 : i32
    %dma_wait3A_345 = tpu.memref_slice %arg1[%dma_wait3A_343, %dma_wait3A_344] : memref<5000x1024xf32, #tpu.memory_space<hbm>> -> memref<1x1024xf32, #tpu.memory_space<hbm>>
    tpu.wait_dma2 semaphore(%arg5 : memref<!tpu.dma_semaphore, #tpu.memory_space<semaphore_mem>>) src(%dma_wait3A_345 : memref<1x1024xf32, #tpu.memory_space<hbm>>) dst(%dma_wait3A_342 : memref<1x1024xf32, #tpu.memory_space<vmem_shared>>)
    %dma_wait3A_346 = arith.constant 20 : i32
    %dma_wait3A_347 = arith.constant 0 : i32
    %dma_wait3A_348 = tpu.memref_slice %arg4[%dma_wait3A_346, %dma_wait3A_347] : memref<22x1024xf32, #tpu.memory_space<vmem_shared>> -> memref<1x1024xf32, #tpu.memory_space<vmem_shared>>
    %dma_wait3A_349 = arith.constant 4 : i32
    %dma_wait3A_350 = arith.constant 0 : i32
    %dma_wait3A_351 = tpu.memref_slice %arg1[%dma_wait3A_349, %dma_wait3A_350] : memref<5000x1024xf32, #tpu.memory_space<hbm>> -> memref<1x1024xf32, #tpu.memory_space<hbm>>
    tpu.wait_dma2 semaphore(%arg5 : memref<!tpu.dma_semaphore, #tpu.memory_space<semaphore_mem>>) src(%dma_wait3A_351 : memref<1x1024xf32, #tpu.memory_space<hbm>>) dst(%dma_wait3A_348 : memref<1x1024xf32, #tpu.memory_space<vmem_shared>>)
    %dma_wait3A_352 = arith.constant 21 : i32
    %dma_wait3A_353 = arith.constant 0 : i32
    %dma_wait3A_354 = tpu.memref_slice %arg4[%dma_wait3A_352, %dma_wait3A_353] : memref<22x1024xf32, #tpu.memory_space<vmem_shared>> -> memref<1x1024xf32, #tpu.memory_space<vmem_shared>>
    %dma_wait3A_355 = arith.constant 5 : i32
    %dma_wait3A_356 = arith.constant 0 : i32
    %dma_wait3A_357 = tpu.memref_slice %arg1[%dma_wait3A_355, %dma_wait3A_356] : memref<5000x1024xf32, #tpu.memory_space<hbm>> -> memref<1x1024xf32, #tpu.memory_space<hbm>>
    tpu.wait_dma2 semaphore(%arg5 : memref<!tpu.dma_semaphore, #tpu.memory_space<semaphore_mem>>) src(%dma_wait3A_357 : memref<1x1024xf32, #tpu.memory_space<hbm>>) dst(%dma_wait3A_354 : memref<1x1024xf32, #tpu.memory_space<vmem_shared>>)
    %dma_start3A_358 = arith.constant 16 : i32
    %dma_start3A_359 = arith.constant 0 : i32
    %dma_start3A_360 = tpu.memref_slice %arg2[%dma_start3A_358, %dma_start3A_359] : memref<38x1024xf32, #tpu.memory_space<hbm>> -> memref<8x1024xf32, #tpu.memory_space<hbm>>
    %dma_start3A_361 = arith.constant 0 : i32
    %dma_start3A_362 = arith.constant 0 : i32
    %dma_start3A_363 = tpu.memref_slice %arg4[%dma_start3A_361, %dma_start3A_362] : memref<22x1024xf32, #tpu.memory_space<vmem_shared>> -> memref<8x1024xf32, #tpu.memory_space<vmem_shared>>
    tpu.enqueue_dma source(%dma_start3A_363 : memref<8x1024xf32, #tpu.memory_space<vmem_shared>>) target(%dma_start3A_360 : memref<8x1024xf32, #tpu.memory_space<hbm>>) target_semaphore(%arg6 : memref<!tpu.dma_semaphore, #tpu.memory_space<semaphore_mem>>)
    %dma_start3A_364 = arith.constant 24 : i32
    %dma_start3A_365 = arith.constant 0 : i32
    %dma_start3A_366 = tpu.memref_slice %arg2[%dma_start3A_364, %dma_start3A_365] : memref<38x1024xf32, #tpu.memory_space<hbm>> -> memref<8x1024xf32, #tpu.memory_space<hbm>>
    %dma_start3A_367 = arith.constant 8 : i32
    %dma_start3A_368 = arith.constant 0 : i32
    %dma_start3A_369 = tpu.memref_slice %arg4[%dma_start3A_367, %dma_start3A_368] : memref<22x1024xf32, #tpu.memory_space<vmem_shared>> -> memref<8x1024xf32, #tpu.memory_space<vmem_shared>>
    tpu.enqueue_dma source(%dma_start3A_369 : memref<8x1024xf32, #tpu.memory_space<vmem_shared>>) target(%dma_start3A_366 : memref<8x1024xf32, #tpu.memory_space<hbm>>) target_semaphore(%arg6 : memref<!tpu.dma_semaphore, #tpu.memory_space<semaphore_mem>>)
    %dma_start3A_370 = arith.constant 32 : i32
    %dma_start3A_371 = arith.constant 0 : i32
    %dma_start3A_372 = tpu.memref_slice %arg2[%dma_start3A_370, %dma_start3A_371] : memref<38x1024xf32, #tpu.memory_space<hbm>> -> memref<6x1024xf32, #tpu.memory_space<hbm>>
    %dma_start3A_373 = arith.constant 16 : i32
    %dma_start3A_374 = arith.constant 0 : i32
    %dma_start3A_375 = tpu.memref_slice %arg4[%dma_start3A_373, %dma_start3A_374] : memref<22x1024xf32, #tpu.memory_space<vmem_shared>> -> memref<6x1024xf32, #tpu.memory_space<vmem_shared>>
    tpu.enqueue_dma source(%dma_start3A_375 : memref<6x1024xf32, #tpu.memory_space<vmem_shared>>) target(%dma_start3A_372 : memref<6x1024xf32, #tpu.memory_space<hbm>>) target_semaphore(%arg6 : memref<!tpu.dma_semaphore, #tpu.memory_space<semaphore_mem>>)
    %dma_wait3A_376 = arith.constant 0 : i32
    %dma_wait3A_377 = arith.constant 0 : i32
    %dma_wait3A_378 = tpu.memref_slice %arg2[%dma_wait3A_376, %dma_wait3A_377] : memref<38x1024xf32, #tpu.memory_space<hbm>> -> memref<1x1024xf32, #tpu.memory_space<hbm>>
    %dma_wait3A_379 = arith.constant 2 : i32
    %dma_wait3A_380 = arith.constant 0 : i32
    %dma_wait3A_381 = tpu.memref_slice %arg3[%dma_wait3A_379, %dma_wait3A_380] : memref<8x1024xf32, #tpu.memory_space<vmem_shared>> -> memref<1x1024xf32, #tpu.memory_space<vmem_shared>>
    tpu.wait_dma2 semaphore(%arg6 : memref<!tpu.dma_semaphore, #tpu.memory_space<semaphore_mem>>) src(%dma_wait3A_381 : memref<1x1024xf32, #tpu.memory_space<vmem_shared>>) dst(%dma_wait3A_378 : memref<1x1024xf32, #tpu.memory_space<hbm>>)
    %dma_wait3A_382 = arith.constant 1 : i32
    %dma_wait3A_383 = arith.constant 0 : i32
    %dma_wait3A_384 = tpu.memref_slice %arg2[%dma_wait3A_382, %dma_wait3A_383] : memref<38x1024xf32, #tpu.memory_space<hbm>> -> memref<1x1024xf32, #tpu.memory_space<hbm>>
    %dma_wait3A_385 = arith.constant 1 : i32
    %dma_wait3A_386 = arith.constant 0 : i32
    %dma_wait3A_387 = tpu.memref_slice %arg3[%dma_wait3A_385, %dma_wait3A_386] : memref<8x1024xf32, #tpu.memory_space<vmem_shared>> -> memref<1x1024xf32, #tpu.memory_space<vmem_shared>>
    tpu.wait_dma2 semaphore(%arg6 : memref<!tpu.dma_semaphore, #tpu.memory_space<semaphore_mem>>) src(%dma_wait3A_387 : memref<1x1024xf32, #tpu.memory_space<vmem_shared>>) dst(%dma_wait3A_384 : memref<1x1024xf32, #tpu.memory_space<hbm>>)
    %dma_wait3A_388 = arith.constant 2 : i32
    %dma_wait3A_389 = arith.constant 0 : i32
    %dma_wait3A_390 = tpu.memref_slice %arg2[%dma_wait3A_388, %dma_wait3A_389] : memref<38x1024xf32, #tpu.memory_space<hbm>> -> memref<1x1024xf32, #tpu.memory_space<hbm>>
    %dma_wait3A_391 = arith.constant 4 : i32
    %dma_wait3A_392 = arith.constant 0 : i32
    %dma_wait3A_393 = tpu.memref_slice %arg3[%dma_wait3A_391, %dma_wait3A_392] : memref<8x1024xf32, #tpu.memory_space<vmem_shared>> -> memref<1x1024xf32, #tpu.memory_space<vmem_shared>>
    tpu.wait_dma2 semaphore(%arg6 : memref<!tpu.dma_semaphore, #tpu.memory_space<semaphore_mem>>) src(%dma_wait3A_393 : memref<1x1024xf32, #tpu.memory_space<vmem_shared>>) dst(%dma_wait3A_390 : memref<1x1024xf32, #tpu.memory_space<hbm>>)
    %dma_wait3A_394 = arith.constant 3 : i32
    %dma_wait3A_395 = arith.constant 0 : i32
    %dma_wait3A_396 = tpu.memref_slice %arg2[%dma_wait3A_394, %dma_wait3A_395] : memref<38x1024xf32, #tpu.memory_space<hbm>> -> memref<1x1024xf32, #tpu.memory_space<hbm>>
    %dma_wait3A_397 = arith.constant 1 : i32
    %dma_wait3A_398 = arith.constant 0 : i32
    %dma_wait3A_399 = tpu.memref_slice %arg3[%dma_wait3A_397, %dma_wait3A_398] : memref<8x1024xf32, #tpu.memory_space<vmem_shared>> -> memref<1x1024xf32, #tpu.memory_space<vmem_shared>>
    tpu.wait_dma2 semaphore(%arg6 : memref<!tpu.dma_semaphore, #tpu.memory_space<semaphore_mem>>) src(%dma_wait3A_399 : memref<1x1024xf32, #tpu.memory_space<vmem_shared>>) dst(%dma_wait3A_396 : memref<1x1024xf32, #tpu.memory_space<hbm>>)
    %dma_wait3A_400 = arith.constant 4 : i32
    %dma_wait3A_401 = arith.constant 0 : i32
    %dma_wait3A_402 = tpu.memref_slice %arg2[%dma_wait3A_400, %dma_wait3A_401] : memref<38x1024xf32, #tpu.memory_space<hbm>> -> memref<1x1024xf32, #tpu.memory_space<hbm>>
    %dma_wait3A_403 = arith.constant 1 : i32
    %dma_wait3A_404 = arith.constant 0 : i32
    %dma_wait3A_405 = tpu.memref_slice %arg3[%dma_wait3A_403, %dma_wait3A_404] : memref<8x1024xf32, #tpu.memory_space<vmem_shared>> -> memref<1x1024xf32, #tpu.memory_space<vmem_shared>>
    tpu.wait_dma2 semaphore(%arg6 : memref<!tpu.dma_semaphore, #tpu.memory_space<semaphore_mem>>) src(%dma_wait3A_405 : memref<1x1024xf32, #tpu.memory_space<vmem_shared>>) dst(%dma_wait3A_402 : memref<1x1024xf32, #tpu.memory_space<hbm>>)
    %dma_wait3A_406 = arith.constant 5 : i32
    %dma_wait3A_407 = arith.constant 0 : i32
    %dma_wait3A_408 = tpu.memref_slice %arg2[%dma_wait3A_406, %dma_wait3A_407] : memref<38x1024xf32, #tpu.memory_space<hbm>> -> memref<1x1024xf32, #tpu.memory_space<hbm>>
    %dma_wait3A_409 = arith.constant 2 : i32
    %dma_wait3A_410 = arith.constant 0 : i32
    %dma_wait3A_411 = tpu.memref_slice %arg3[%dma_wait3A_409, %dma_wait3A_410] : memref<8x1024xf32, #tpu.memory_space<vmem_shared>> -> memref<1x1024xf32, #tpu.memory_space<vmem_shared>>
    tpu.wait_dma2 semaphore(%arg6 : memref<!tpu.dma_semaphore, #tpu.memory_space<semaphore_mem>>) src(%dma_wait3A_411 : memref<1x1024xf32, #tpu.memory_space<vmem_shared>>) dst(%dma_wait3A_408 : memref<1x1024xf32, #tpu.memory_space<hbm>>)
    %dma_wait3A_412 = arith.constant 6 : i32
    %dma_wait3A_413 = arith.constant 0 : i32
    %dma_wait3A_414 = tpu.memref_slice %arg2[%dma_wait3A_412, %dma_wait3A_413] : memref<38x1024xf32, #tpu.memory_space<hbm>> -> memref<1x1024xf32, #tpu.memory_space<hbm>>
    %dma_wait3A_415 = arith.constant 2 : i32
    %dma_wait3A_416 = arith.constant 0 : i32
    %dma_wait3A_417 = tpu.memref_slice %arg3[%dma_wait3A_415, %dma_wait3A_416] : memref<8x1024xf32, #tpu.memory_space<vmem_shared>> -> memref<1x1024xf32, #tpu.memory_space<vmem_shared>>
    tpu.wait_dma2 semaphore(%arg6 : memref<!tpu.dma_semaphore, #tpu.memory_space<semaphore_mem>>) src(%dma_wait3A_417 : memref<1x1024xf32, #tpu.memory_space<vmem_shared>>) dst(%dma_wait3A_414 : memref<1x1024xf32, #tpu.memory_space<hbm>>)
    %dma_wait3A_418 = arith.constant 7 : i32
    %dma_wait3A_419 = arith.constant 0 : i32
    %dma_wait3A_420 = tpu.memref_slice %arg2[%dma_wait3A_418, %dma_wait3A_419] : memref<38x1024xf32, #tpu.memory_space<hbm>> -> memref<1x1024xf32, #tpu.memory_space<hbm>>
    %dma_wait3A_421 = arith.constant 2 : i32
    %dma_wait3A_422 = arith.constant 0 : i32
    %dma_wait3A_423 = tpu.memref_slice %arg3[%dma_wait3A_421, %dma_wait3A_422] : memref<8x1024xf32, #tpu.memory_space<vmem_shared>> -> memref<1x1024xf32, #tpu.memory_space<vmem_shared>>
    tpu.wait_dma2 semaphore(%arg6 : memref<!tpu.dma_semaphore, #tpu.memory_space<semaphore_mem>>) src(%dma_wait3A_423 : memref<1x1024xf32, #tpu.memory_space<vmem_shared>>) dst(%dma_wait3A_420 : memref<1x1024xf32, #tpu.memory_space<hbm>>)
    %dma_wait3A_424 = arith.constant 8 : i32
    %dma_wait3A_425 = arith.constant 0 : i32
    %dma_wait3A_426 = tpu.memref_slice %arg2[%dma_wait3A_424, %dma_wait3A_425] : memref<38x1024xf32, #tpu.memory_space<hbm>> -> memref<1x1024xf32, #tpu.memory_space<hbm>>
    %dma_wait3A_427 = arith.constant 3 : i32
    %dma_wait3A_428 = arith.constant 0 : i32
    %dma_wait3A_429 = tpu.memref_slice %arg3[%dma_wait3A_427, %dma_wait3A_428] : memref<8x1024xf32, #tpu.memory_space<vmem_shared>> -> memref<1x1024xf32, #tpu.memory_space<vmem_shared>>
    tpu.wait_dma2 semaphore(%arg6 : memref<!tpu.dma_semaphore, #tpu.memory_space<semaphore_mem>>) src(%dma_wait3A_429 : memref<1x1024xf32, #tpu.memory_space<vmem_shared>>) dst(%dma_wait3A_426 : memref<1x1024xf32, #tpu.memory_space<hbm>>)
    %dma_wait3A_430 = arith.constant 9 : i32
    %dma_wait3A_431 = arith.constant 0 : i32
    %dma_wait3A_432 = tpu.memref_slice %arg2[%dma_wait3A_430, %dma_wait3A_431] : memref<38x1024xf32, #tpu.memory_space<hbm>> -> memref<1x1024xf32, #tpu.memory_space<hbm>>
    %dma_wait3A_433 = arith.constant 2 : i32
    %dma_wait3A_434 = arith.constant 0 : i32
    %dma_wait3A_435 = tpu.memref_slice %arg3[%dma_wait3A_433, %dma_wait3A_434] : memref<8x1024xf32, #tpu.memory_space<vmem_shared>> -> memref<1x1024xf32, #tpu.memory_space<vmem_shared>>
    tpu.wait_dma2 semaphore(%arg6 : memref<!tpu.dma_semaphore, #tpu.memory_space<semaphore_mem>>) src(%dma_wait3A_435 : memref<1x1024xf32, #tpu.memory_space<vmem_shared>>) dst(%dma_wait3A_432 : memref<1x1024xf32, #tpu.memory_space<hbm>>)
    %dma_wait3A_436 = arith.constant 10 : i32
    %dma_wait3A_437 = arith.constant 0 : i32
    %dma_wait3A_438 = tpu.memref_slice %arg2[%dma_wait3A_436, %dma_wait3A_437] : memref<38x1024xf32, #tpu.memory_space<hbm>> -> memref<1x1024xf32, #tpu.memory_space<hbm>>
    %dma_wait3A_439 = arith.constant 4 : i32
    %dma_wait3A_440 = arith.constant 0 : i32
    %dma_wait3A_441 = tpu.memref_slice %arg3[%dma_wait3A_439, %dma_wait3A_440] : memref<8x1024xf32, #tpu.memory_space<vmem_shared>> -> memref<1x1024xf32, #tpu.memory_space<vmem_shared>>
    tpu.wait_dma2 semaphore(%arg6 : memref<!tpu.dma_semaphore, #tpu.memory_space<semaphore_mem>>) src(%dma_wait3A_441 : memref<1x1024xf32, #tpu.memory_space<vmem_shared>>) dst(%dma_wait3A_438 : memref<1x1024xf32, #tpu.memory_space<hbm>>)
    %dma_wait3A_442 = arith.constant 11 : i32
    %dma_wait3A_443 = arith.constant 0 : i32
    %dma_wait3A_444 = tpu.memref_slice %arg2[%dma_wait3A_442, %dma_wait3A_443] : memref<38x1024xf32, #tpu.memory_space<hbm>> -> memref<1x1024xf32, #tpu.memory_space<hbm>>
    %dma_wait3A_445 = arith.constant 2 : i32
    %dma_wait3A_446 = arith.constant 0 : i32
    %dma_wait3A_447 = tpu.memref_slice %arg3[%dma_wait3A_445, %dma_wait3A_446] : memref<8x1024xf32, #tpu.memory_space<vmem_shared>> -> memref<1x1024xf32, #tpu.memory_space<vmem_shared>>
    tpu.wait_dma2 semaphore(%arg6 : memref<!tpu.dma_semaphore, #tpu.memory_space<semaphore_mem>>) src(%dma_wait3A_447 : memref<1x1024xf32, #tpu.memory_space<vmem_shared>>) dst(%dma_wait3A_444 : memref<1x1024xf32, #tpu.memory_space<hbm>>)
    %dma_wait3A_448 = arith.constant 12 : i32
    %dma_wait3A_449 = arith.constant 0 : i32
    %dma_wait3A_450 = tpu.memref_slice %arg2[%dma_wait3A_448, %dma_wait3A_449] : memref<38x1024xf32, #tpu.memory_space<hbm>> -> memref<1x1024xf32, #tpu.memory_space<hbm>>
    %dma_wait3A_451 = arith.constant 5 : i32
    %dma_wait3A_452 = arith.constant 0 : i32
    %dma_wait3A_453 = tpu.memref_slice %arg3[%dma_wait3A_451, %dma_wait3A_452] : memref<8x1024xf32, #tpu.memory_space<vmem_shared>> -> memref<1x1024xf32, #tpu.memory_space<vmem_shared>>
    tpu.wait_dma2 semaphore(%arg6 : memref<!tpu.dma_semaphore, #tpu.memory_space<semaphore_mem>>) src(%dma_wait3A_453 : memref<1x1024xf32, #tpu.memory_space<vmem_shared>>) dst(%dma_wait3A_450 : memref<1x1024xf32, #tpu.memory_space<hbm>>)
    %dma_wait3A_454 = arith.constant 13 : i32
    %dma_wait3A_455 = arith.constant 0 : i32
    %dma_wait3A_456 = tpu.memref_slice %arg2[%dma_wait3A_454, %dma_wait3A_455] : memref<38x1024xf32, #tpu.memory_space<hbm>> -> memref<1x1024xf32, #tpu.memory_space<hbm>>
    %dma_wait3A_457 = arith.constant 2 : i32
    %dma_wait3A_458 = arith.constant 0 : i32
    %dma_wait3A_459 = tpu.memref_slice %arg3[%dma_wait3A_457, %dma_wait3A_458] : memref<8x1024xf32, #tpu.memory_space<vmem_shared>> -> memref<1x1024xf32, #tpu.memory_space<vmem_shared>>
    tpu.wait_dma2 semaphore(%arg6 : memref<!tpu.dma_semaphore, #tpu.memory_space<semaphore_mem>>) src(%dma_wait3A_459 : memref<1x1024xf32, #tpu.memory_space<vmem_shared>>) dst(%dma_wait3A_456 : memref<1x1024xf32, #tpu.memory_space<hbm>>)
    %dma_wait3A_460 = arith.constant 14 : i32
    %dma_wait3A_461 = arith.constant 0 : i32
    %dma_wait3A_462 = tpu.memref_slice %arg2[%dma_wait3A_460, %dma_wait3A_461] : memref<38x1024xf32, #tpu.memory_space<hbm>> -> memref<1x1024xf32, #tpu.memory_space<hbm>>
    %dma_wait3A_463 = arith.constant 1 : i32
    %dma_wait3A_464 = arith.constant 0 : i32
    %dma_wait3A_465 = tpu.memref_slice %arg3[%dma_wait3A_463, %dma_wait3A_464] : memref<8x1024xf32, #tpu.memory_space<vmem_shared>> -> memref<1x1024xf32, #tpu.memory_space<vmem_shared>>
    tpu.wait_dma2 semaphore(%arg6 : memref<!tpu.dma_semaphore, #tpu.memory_space<semaphore_mem>>) src(%dma_wait3A_465 : memref<1x1024xf32, #tpu.memory_space<vmem_shared>>) dst(%dma_wait3A_462 : memref<1x1024xf32, #tpu.memory_space<hbm>>)
    %dma_wait3A_466 = arith.constant 15 : i32
    %dma_wait3A_467 = arith.constant 0 : i32
    %dma_wait3A_468 = tpu.memref_slice %arg2[%dma_wait3A_466, %dma_wait3A_467] : memref<38x1024xf32, #tpu.memory_space<hbm>> -> memref<1x1024xf32, #tpu.memory_space<hbm>>
    %dma_wait3A_469 = arith.constant 3 : i32
    %dma_wait3A_470 = arith.constant 0 : i32
    %dma_wait3A_471 = tpu.memref_slice %arg3[%dma_wait3A_469, %dma_wait3A_470] : memref<8x1024xf32, #tpu.memory_space<vmem_shared>> -> memref<1x1024xf32, #tpu.memory_space<vmem_shared>>
    tpu.wait_dma2 semaphore(%arg6 : memref<!tpu.dma_semaphore, #tpu.memory_space<semaphore_mem>>) src(%dma_wait3A_471 : memref<1x1024xf32, #tpu.memory_space<vmem_shared>>) dst(%dma_wait3A_468 : memref<1x1024xf32, #tpu.memory_space<hbm>>)
    %dma_wait3A_472 = arith.constant 16 : i32
    %dma_wait3A_473 = arith.constant 0 : i32
    %dma_wait3A_474 = tpu.memref_slice %arg2[%dma_wait3A_472, %dma_wait3A_473] : memref<38x1024xf32, #tpu.memory_space<hbm>> -> memref<8x1024xf32, #tpu.memory_space<hbm>>
    %dma_wait3A_475 = arith.constant 0 : i32
    %dma_wait3A_476 = arith.constant 0 : i32
    %dma_wait3A_477 = tpu.memref_slice %arg4[%dma_wait3A_475, %dma_wait3A_476] : memref<22x1024xf32, #tpu.memory_space<vmem_shared>> -> memref<8x1024xf32, #tpu.memory_space<vmem_shared>>
    tpu.wait_dma2 semaphore(%arg6 : memref<!tpu.dma_semaphore, #tpu.memory_space<semaphore_mem>>) src(%dma_wait3A_477 : memref<8x1024xf32, #tpu.memory_space<vmem_shared>>) dst(%dma_wait3A_474 : memref<8x1024xf32, #tpu.memory_space<hbm>>)
    %dma_wait3A_478 = arith.constant 24 : i32
    %dma_wait3A_479 = arith.constant 0 : i32
    %dma_wait3A_480 = tpu.memref_slice %arg2[%dma_wait3A_478, %dma_wait3A_479] : memref<38x1024xf32, #tpu.memory_space<hbm>> -> memref<8x1024xf32, #tpu.memory_space<hbm>>
    %dma_wait3A_481 = arith.constant 8 : i32
    %dma_wait3A_482 = arith.constant 0 : i32
    %dma_wait3A_483 = tpu.memref_slice %arg4[%dma_wait3A_481, %dma_wait3A_482] : memref<22x1024xf32, #tpu.memory_space<vmem_shared>> -> memref<8x1024xf32, #tpu.memory_space<vmem_shared>>
    tpu.wait_dma2 semaphore(%arg6 : memref<!tpu.dma_semaphore, #tpu.memory_space<semaphore_mem>>) src(%dma_wait3A_483 : memref<8x1024xf32, #tpu.memory_space<vmem_shared>>) dst(%dma_wait3A_480 : memref<8x1024xf32, #tpu.memory_space<hbm>>)
    %dma_wait3A_484 = arith.constant 32 : i32
    %dma_wait3A_485 = arith.constant 0 : i32
    %dma_wait3A_486 = tpu.memref_slice %arg2[%dma_wait3A_484, %dma_wait3A_485] : memref<38x1024xf32, #tpu.memory_space<hbm>> -> memref<6x1024xf32, #tpu.memory_space<hbm>>
    %dma_wait3A_487 = arith.constant 16 : i32
    %dma_wait3A_488 = arith.constant 0 : i32
    %dma_wait3A_489 = tpu.memref_slice %arg4[%dma_wait3A_487, %dma_wait3A_488] : memref<22x1024xf32, #tpu.memory_space<vmem_shared>> -> memref<6x1024xf32, #tpu.memory_space<vmem_shared>>
    tpu.wait_dma2 semaphore(%arg6 : memref<!tpu.dma_semaphore, #tpu.memory_space<semaphore_mem>>) src(%dma_wait3A_489 : memref<6x1024xf32, #tpu.memory_space<vmem_shared>>) dst(%dma_wait3A_486 : memref<6x1024xf32, #tpu.memory_space<hbm>>)
    return
  }
}

</mosaic_0001>

<sc_bundles>
// kernel: kernel.3.cloned.1.call-start
scs
__scs_entry_jumppad:
0x0: {  	(pc) =	sbr.rel $0x88, $3  }
0x1: {  	(tag) =	ssettag $0x0;
	lr =	simm.s32 $0x1  }
0x2: {  	[smem:$0x3FA0] =	sst lr;
	_ =	strace $0xD0000000  }
0x3: {  	_ = 	snop  }
0x4: {  	_ = 	snop  }
0x5: {  	_ = 	snop  }
0x6: {  	_ = 	snop  }
0x7: {  	_ = 	snop  }
__scs_overlays_trampoline_lowered:
0x8: {  	[smem:$0x3FAF] =	sst s0  }
0x9: {  	[smem:$0x3FB0] =	sst s1  }
0xa: {  	[smem:$0x3FB1] =	sst s2  }
0xb: {  	[smem:$0x3FB2] =	sst s3  }
0xc: {  	[smem:$0x3FB3] =	sst s4  }
0xd: {  	[smem:$0x3FB4] =	sst s5  }
0xe: {  	[smem:$0x3FB5] =	sst s6  }
0xf: {  	[smem:$0x3FB6] =	sst s7  }
0x10: {  	[smem:$0x3FB7] =	sst s8  }
0x11: {  	[smem:$0x3FB8] =	sst s9;
	s0 =	simm.s32 @!p0 $0x0  }
0x12: {  	s1 =	sld [smem:$0x3F9E];
	s0 =	simm.s32 @p0 $0x1  }
0x13: {  	[smem:$0x3FB9] =	sst s0;
	s0 =	simm.s32 @!p1 $0x0  }
0x14: {  	s2 =	sld [smem:$0x3F9D];
	s0 =	simm.s32 @p1 $0x1  }
0x15: {  	[smem:$0x3FBA] =	sst s0;
	s0 =	simm.s32 @!p2 $0x0  }
0x16: {  	s3 =	sld [smem:$0x3FDB];
	s0 =	simm.s32 @p2 $0x1  }
0x17: {  	s4 =	simm.s32 $0x1BF5;
	[smem:$0x3FBC] =	sst s0  }
0x18: {  	s0 =	sld [smem:$0x3F9F];
	_ =	swait.ge [sflag:s4], $0x0  }
0x19: {  	s7 =	sld [smem:$0x3FA0]  }
0x1a: {  	s8 =	sadd.s32 $0xFFFFE003, lr  }
0x1b: {  	s9 =	sadd.s32 $0xFFFFFEF7, lr;
	s5 =	simm.s32 $0xFFFFFFFF;
	p2 =	slt.u32 s8, $0xFFFFF086  }
0x1c: {  	p1 =	slt.u32 s9, $0xF7A;
	s5 =	simm.s32 @!p2 $0x0  }
0x1d: {  	s5 =	simm.s32 @p1 $0x1;
	p0 =	seq.s32 s7, s2  }
0x1e: {  	s7 =	smul.u32 @!p0 $0xF7A, s2;
	p2 =	seq.s32 @!p0 s5, $0x0  }
0x1f: {  	s9 =	smul.u32 $0xF7A, s1;
	s8 =	simm.s32 @!p0 $0x1BF5;
	p2 =	por !p2, p0  }
0x20: {  	[sflag:s8] =	ssyncset.s32 @!p0 $0xFFFFF086;
	s6 =	sadd.s32 @!p0 s3, s7;
	s7 =	simm.s32 @!p0 $0x108  }
0x21: {  	s3 =	sadd.s32 s3, s9;
	s6 =	sadd.s32 @!p0 $0x88, s6;
	s7 =	simm.s32 @p2 $0x1082  }
0x22: {  	[simem:s7], [sflag:s8] =	dma.local @!p0 [hbm:s6], $0xF7A  }
0x23: {  	s9 =	sor.u32 $0xD0000000, s2;
	s6 =	simm.s32 $0x108;
	_ =	swait.ge @!p0 [sflag:s8], $0x0  }
0x24: {  	s3 =	sadd.s32 $0x88, s3;
	s6 =	simm.s32 @!p1 $0x1082;
	[sflag:s4] =	ssyncset.s32 $0xFFFFF086  }
0x25: {  	[simem:s6], [sflag:s4] =	dma.local [hbm:s3], $0xF7A  }
0x26: {  	[smem:$0x3FA0] =	sst s1;
	(tag) =	ssettag s2;
	_ =	strace s9  }
0x27: {  	s1 =	sld [smem:$0x3FB0]  }
0x28: {  	s2 =	sld [smem:$0x3FB1]  }
0x29: {  	s4 =	sld [smem:$0x3FB3]  }
0x2a: {  	p0 =	seq.s32 s5, $0x0;
	s5 =	sld [smem:$0x3FB4]  }
0x2b: {  	s6 =	sld [smem:$0x3FB5]  }
0x2c: {  	s7 =	sld [smem:$0x3FB6]  }
0x2d: {  	s3 =	simm.s32 $0x108;
	s8 =	sld [smem:$0x3FB7]  }
0x2e: {  	s3 =	simm.s32 @!p0 $0x1082;
	s9 =	sld [smem:$0x3FB8]  }
0x2f: {  	lr =	sadd.s32 s0, s3;
	s0 =	sld [smem:$0x3FAF]  }
0x30: {  	s3 =	sld [smem:$0x3FB2]  }
0x31: {  	[smem:$0x3FBB] =	sst s10  }
0x32: {  	s10 =	sld [smem:$0x3FB9];
	_ =	sdelay $0x3  }
0x33: {  	p0 =	seq.s32 s10, $0x1;
	s10 =	sld [smem:$0x3FBB];
	_ =	sdelay $0x3  }
0x34: {  	[smem:$0x3FBB] =	sst s10  }
0x35: {  	s10 =	sld [smem:$0x3FBA];
	_ =	sdelay $0x3  }
0x36: {  	p1 =	seq.s32 s10, $0x1;
	s10 =	sld [smem:$0x3FBB];
	_ =	sdelay $0x3  }
0x37: {  	[smem:$0x3FBB] =	sst s10  }
0x38: {  	s10 =	sld [smem:$0x3FBC]  }
0x39: {  	_ = 	snop;
	(pc) =	sbr.ind lr, $3  }
0x3a: {  	_ = 	snop  }
0x3b: {  	_ = 	snop  }
0x3c: {  	p2 =	seq.s32 s10, $0x1;
	s10 =	sld [smem:$0x3FBB]  }
0x3d: {  	_ =	shalt  }
0x3e: {  	_ =	shalt  }
0x3f: {  	_ =	shalt  }
0x40: {  	_ =	shalt  }
0x41: {  	_ =	shalt  }
0x42: {  	_ =	shalt  }
0x43: {  	_ =	shalt  }
0x44: {  	_ =	shalt  }
0x45: {  	_ =	shalt  }
0x46: {  	_ =	shalt  }
0x47: {  	_ =	shalt  }
0x48: {  	_ =	shalt  }
0x49: {  	_ =	shalt  }
0x4a: {  	_ =	shalt  }
0x4b: {  	_ =	shalt  }
0x4c: {  	_ =	shalt  }
0x4d: {  	_ =	shalt  }
0x4e: {  	_ =	shalt  }
0x4f: {  	_ =	shalt  }
0x50: {  	_ =	shalt  }
0x51: {  	_ =	shalt  }
0x52: {  	_ =	shalt  }
0x53: {  	_ =	shalt  }
0x54: {  	_ =	shalt  }
0x55: {  	_ =	shalt  }
0x56: {  	_ =	shalt  }
0x57: {  	_ =	shalt  }
0x58: {  	_ =	shalt  }
0x59: {  	_ =	shalt  }
0x5a: {  	_ =	shalt  }
0x5b: {  	_ =	shalt  }
0x5c: {  	_ =	shalt  }
0x5d: {  	_ =	shalt  }
0x5e: {  	_ =	shalt  }
0x5f: {  	_ =	shalt  }
0x60: {  	_ =	shalt  }
0x61: {  	_ =	shalt  }
0x62: {  	_ =	shalt  }
0x63: {  	_ =	shalt  }
0x64: {  	_ =	shalt  }
0x65: {  	_ =	shalt  }
0x66: {  	_ =	shalt  }
0x67: {  	_ =	shalt  }
0x68: {  	_ =	shalt  }
0x69: {  	_ =	shalt  }
0x6a: {  	_ =	shalt  }
0x6b: {  	_ =	shalt  }
0x6c: {  	_ =	shalt  }
0x6d: {  	_ =	shalt  }
0x6e: {  	_ =	shalt  }
0x6f: {  	_ =	shalt  }
0x70: {  	_ =	shalt  }
0x71: {  	_ =	shalt  }
0x72: {  	_ =	shalt  }
0x73: {  	_ =	shalt  }
0x74: {  	_ =	shalt  }
0x75: {  	_ =	shalt  }
0x76: {  	_ =	shalt  }
0x77: {  	_ =	shalt  }
0x78: {  	_ =	shalt  }
0x79: {  	_ =	shalt  }
0x7a: {  	_ =	shalt  }
0x7b: {  	_ =	shalt  }
0x7c: {  	_ =	shalt  }
0x7d: {  	_ =	shalt  }
0x7e: {  	_ =	shalt  }
0x7f: {  	_ =	shalt  }
0x80: {  	_ =	shalt  }
0x81: {  	_ =	shalt  }
0x82: {  	_ =	shalt  }
0x83: {  	_ =	shalt  }
0x84: {  	_ =	shalt  }
0x85: {  	_ =	shalt  }
0x86: {  	_ =	shalt  }
0x87: {  	_ =	shalt  }
.Lfunc_end0:
.L_simem_size_0:
called_computation_lowered:
.L_overlay_start_0:
0x88: {  	s0 =	sld [smem:$0x3FD9]  }
0x89: {  	s1 =	sld [smem:$0x3FFE];
	_ =	sdelay $0x3  }
0x8a: {  	s0 =	sadd.s32 s1, s0  }
0x8b: {  	s8 =	simm.s32 $0x0;
	[smem:$0x3FC7] =	sst s0  }
0x8c: {  	[smem:$0xF] =	sst s8  }
0x8d: {  	s1 =	sld [smem:$0x3FC9];
	(tm) =	ssettm $0x1  }
0x8e: {  	s20 =	sld [smem:$0x3FFB];
	_ =	sdelay $0x3  }
0x8f: {  	_ =	strace s20  }
0x90: {  	s0 =	sld [smem:$0x3FFC];
	_ =	sdelay $0x2  }
0x91: {  	s21 =	simm.s32 $0x1B8B;
	s2 =	simm.s32 $0x1B8E;
	s6 =	simm.s32 $0x1  }
0x92: {  	s7 =	simm.s32 $0x80;
	s3 =	simm.s32 $0x9;
	_ =	strace s0  }
0x93: {  	s4 =	simm.s32 $0x410;
	s22 =	simm.s32 $0x420;
	s0 =	sld [smem:$0x3FFD]  }
0x94: {  	s23 =	simm.s32 $0x430;
	s24 =	simm.s32 $0x440;
	s25 =	simm.s32 $0x450  }
0x95: {  	s26 =	simm.s32 $0x460;
	s28 =	simm.s32 $0x470;
	s29 =	simm.s32 $0x810  }
0x96: {  	s30 =	simm.s32 $0x820;
	s31 =	simm.s32 $0x830;
	s13 =	simm.s32 $0x840  }
0x97: {  	s14 =	simm.s32 $0x850;
	s15 =	simm.s32 $0x860;
	_ =	strace s0  }
0x98: {  	s16 =	simm.s32 $0x870;
	s17 =	simm.s32 $0xC10;
	_ =	strace $0x8FFFFFFF  }
0x99: {  	s18 =	simm.s32 $0xC20;
	s19 =	simm.s32 $0xC30;
	_ =	swait.ge [sflag:s21], $0x1  }
0x9a: {  	s9 =	sadd.s32 $0x20, s1;
	s5 =	sadd.s32 $0x30, s1;
	[sflag:s21] =	ssyncset.done $0x0  }
0x9b: {  	s10 =	sadd.s32 $0x40, s1;
	s11 =	sadd.s32 $0x50, s1;
	[sflag:s21] =	ssyncadd.s32 $0xFFFFFFFF  }
0x9c: {  	s12 =	sadd.s32 $0x10, s1;
	s20 =	simm.s32 $0xC40;
	[smem:$0x3FD2] =	sst s2  }
0x9d: {  	s0 =	sld [smem:$0x3FFE];
	s2 =	simm.s32 $0x400;
	_ =	strace $0x80000046  }
0x9e: {  	[spmem:s2@s7], [sflag:s3] =	dma.strided [hbm:s9@s7], $0x80, s6, $0x10   }
0x9f: {  	[spmem:s4@s7], [sflag:s3] =	dma.strided [hbm:s5@s7], $0x80, s6, $0x10   }
0xa0: {  	[spmem:s22@s7], [sflag:s3] =	dma.strided [hbm:s5@s7], $0x80, s6, $0x10   }
0xa1: {  	s21 =	simm.s32 $0xC50;
	s4 =	simm.s32 $0x800;
	s22 =	simm.s32 $0xB  }
0xa2: {  	[spmem:s23@s7], [sflag:s3] =	dma.strided [hbm:s5@s7], $0x80, s6, $0x10   }
0xa3: {  	[spmem:s24@s7], [sflag:s3] =	dma.strided [hbm:s10@s7], $0x80, s6, $0x10   }
0xa4: {  	[spmem:s25@s7], [sflag:s3] =	dma.strided [hbm:s5@s7], $0x80, s6, $0x10   }
0xa5: {  	s23 =	sadd.s32 $0x400, s0;
	s24 =	simm.s32 $0x20;
	s25 =	sadd.s32 $0x410, s0  }
0xa6: {  	[spmem:s26@s7], [sflag:s3] =	dma.strided [hbm:s11@s7], $0x80, s6, $0x10   }
0xa7: {  	[spmem:s28@s7], [sflag:s3] =	dma.strided [hbm:s5@s7], $0x80, s6, $0x10   }
0xa8: {  	[spmem:s4@s7], [sflag:s3] =	dma.strided [hbm:s12@s7], $0x80, s6, $0x10   }
0xa9: {  	s26 =	simm.s32 $0x10;
	s28 =	sadd.s32 $0x420, s0;
	s12 =	sadd.s32 $0x450, s0  }
0xaa: {  	[spmem:s29@s7], [sflag:s3] =	dma.strided [hbm:s10@s7], $0x80, s6, $0x10   }
0xab: {  	[spmem:s30@s7], [sflag:s3] =	dma.strided [hbm:s9@s7], $0x80, s6, $0x10   }
0xac: {  	[spmem:s31@s7], [sflag:s3] =	dma.strided [hbm:s10@s7], $0x80, s6, $0x10   }
0xad: {  	s29 =	simm.s32 $0x40;
	s30 =	sadd.s32 $0x430, s0;
	s31 =	sadd.s32 $0x440, s0  }
0xae: {  	[spmem:s13@s7], [sflag:s3] =	dma.strided [hbm:s5@s7], $0x80, s6, $0x10   }
0xaf: {  	[spmem:s14@s7], [sflag:s3] =	dma.strided [hbm:s10@s7], $0x80, s6, $0x10   }
0xb0: {  	s5 =	simm.s32 $0xC00;
	s13 =	sadd.s32 $0x460, s0;
	s14 =	sadd.s32 $0x470, s0  }
0xb1: {  	[spmem:s15@s7], [sflag:s3] =	dma.strided [hbm:s10@s7], $0x80, s6, $0x10   }
0xb2: {  	[spmem:s16@s7], [sflag:s3] =	dma.strided [hbm:s10@s7], $0x80, s6, $0x10   }
0xb3: {  	[spmem:s5@s7], [sflag:s3] =	dma.strided [hbm:s11@s7], $0x80, s6, $0x10   }
0xb4: {  	[spmem:s17@s7], [sflag:s3] =	dma.strided [hbm:s10@s7], $0x80, s6, $0x10   }
0xb5: {  	s15 =	sadd.s32 $0x800, s0;
	s16 =	simm.s32 $0x30;
	s17 =	sadd.s32 $0x810, s0  }
0xb6: {  	[spmem:s18@s7], [sflag:s3] =	dma.strided [hbm:s9@s7], $0x80, s6, $0x10   }
0xb7: {  	[spmem:s19@s7], [sflag:s3] =	dma.strided [hbm:s11@s7], $0x80, s6, $0x10   }
0xb8: {  	[spmem:s20@s7], [sflag:s3] =	dma.strided [hbm:s10@s7], $0x80, s6, $0x10   }
0xb9: {  	[spmem:s21@s7], [sflag:s3] =	dma.strided [hbm:s11@s7], $0x80, s6, $0x10   }
0xba: {  	[spmem:s8], [sflag:s22] =	dma.local [hbm:s1], $0x400  }
0xbb: {  	s18 =	sadd.s32 $0x820, s0;
	s19 =	sadd.s32 $0x830, s0;
	_ =	swait.ge [sflag:s22], $0x400  }
0xbc: {  	s20 =	sadd.s32 $0x840, s0;
	s21 =	simm.s32 $0x50;
	[sflag:s22] =	ssyncset.done $0x0  }
0xbd: {  	s1 =	simm.s32 $0xA;
	[sflag:s22] =	ssyncadd.s32 $0xFFFFFC00;
	s22 =	sadd.s32 $0x850, s0  }
0xbe: {  	[hbm:s23@s7], [sflag:s1] =	dma.strided [spmem:s24@s7], $0x80, s6, $0x10   }
0xbf: {  	[hbm:s25@s7], [sflag:s1] =	dma.strided [spmem:s26@s7], $0x80, s6, $0x10   }
0xc0: {  	[hbm:s28@s7], [sflag:s1] =	dma.strided [spmem:s29@s7], $0x80, s6, $0x10   }
0xc1: {  	[hbm:s30@s7], [sflag:s1] =	dma.strided [spmem:s26@s7], $0x80, s6, $0x10   }
0xc2: {  	[hbm:s31@s7], [sflag:s1] =	dma.strided [spmem:s26@s7], $0x80, s6, $0x10   }
0xc3: {  	[hbm:s12@s7], [sflag:s1] =	dma.strided [spmem:s24@s7], $0x80, s6, $0x10   }
0xc4: {  	[hbm:s13@s7], [sflag:s1] =	dma.strided [spmem:s24@s7], $0x80, s6, $0x10   }
0xc5: {  	[hbm:s14@s7], [sflag:s1] =	dma.strided [spmem:s24@s7], $0x80, s6, $0x10   }
0xc6: {  	[hbm:s15@s7], [sflag:s1] =	dma.strided [spmem:s16@s7], $0x80, s6, $0x10   }
0xc7: {  	[hbm:s17@s7], [sflag:s1] =	dma.strided [spmem:s24@s7], $0x80, s6, $0x10   }
0xc8: {  	[hbm:s18@s7], [sflag:s1] =	dma.strided [spmem:s29@s7], $0x80, s6, $0x10   }
0xc9: {  	[hbm:s19@s7], [sflag:s1] =	dma.strided [spmem:s24@s7], $0x80, s6, $0x10   }
0xca: {  	[hbm:s20@s7], [sflag:s1] =	dma.strided [spmem:s21@s7], $0x80, s6, $0x10   }
0xcb: {  	[hbm:s22@s7], [sflag:s1] =	dma.strided [spmem:s24@s7], $0x80, s6, $0x10   }
0xcc: {  	s23 =	sadd.s32 $0x860, s0;
	s24 =	sadd.s32 $0x870, s0  }
0xcd: {  	[hbm:s23@s7], [sflag:s1] =	dma.strided [spmem:s26@s7], $0x80, s6, $0x10   }
0xce: {  	[hbm:s24@s7], [sflag:s1] =	dma.strided [spmem:s16@s7], $0x80, s6, $0x10   }
0xcf: {  	_ =	swait.ge [sflag:s3], $0x80  }
0xd0: {  	[sflag:s3] =	ssyncset.done $0x0  }
0xd1: {  	[sflag:s3] =	ssyncadd.s32 $0xFFFFFF80;
	_ =	sdelay $0x2  }
0xd2: {  	_ =	swait.ge [sflag:s3], $0x80  }
0xd3: {  	[sflag:s3] =	ssyncset.done $0x0  }
0xd4: {  	[sflag:s3] =	ssyncadd.s32 $0xFFFFFF80;
	_ =	sdelay $0x2  }
0xd5: {  	_ =	swait.ge [sflag:s3], $0x80  }
0xd6: {  	[sflag:s3] =	ssyncset.done $0x0  }
0xd7: {  	[sflag:s3] =	ssyncadd.s32 $0xFFFFFF80;
	_ =	sdelay $0x2  }
0xd8: {  	_ =	swait.ge [sflag:s3], $0x80  }
0xd9: {  	[sflag:s3] =	ssyncset.done $0x0  }
0xda: {  	[sflag:s3] =	ssyncadd.s32 $0xFFFFFF80;
	_ =	sdelay $0x2  }
0xdb: {  	_ =	swait.ge [sflag:s3], $0x80  }
0xdc: {  	[sflag:s3] =	ssyncset.done $0x0  }
0xdd: {  	[sflag:s3] =	ssyncadd.s32 $0xFFFFFF80;
	_ =	sdelay $0x2  }
0xde: {  	_ =	swait.ge [sflag:s3], $0x80  }
0xdf: {  	[sflag:s3] =	ssyncset.done $0x0  }
0xe0: {  	[sflag:s3] =	ssyncadd.s32 $0xFFFFFF80;
	_ =	sdelay $0x2  }
0xe1: {  	_ =	swait.ge [sflag:s3], $0x80  }
0xe2: {  	[sflag:s3] =	ssyncset.done $0x0  }
0xe3: {  	[sflag:s3] =	ssyncadd.s32 $0xFFFFFF80;
	_ =	sdelay $0x2  }
0xe4: {  	_ =	swait.ge [sflag:s3], $0x80  }
0xe5: {  	[sflag:s3] =	ssyncset.done $0x0  }
0xe6: {  	[sflag:s3] =	ssyncadd.s32 $0xFFFFFF80;
	_ =	sdelay $0x2  }
0xe7: {  	_ =	swait.ge [sflag:s3], $0x80  }
0xe8: {  	[sflag:s3] =	ssyncset.done $0x0  }
0xe9: {  	[sflag:s3] =	ssyncadd.s32 $0xFFFFFF80;
	_ =	sdelay $0x2  }
0xea: {  	_ =	swait.ge [sflag:s3], $0x80  }
0xeb: {  	[sflag:s3] =	ssyncset.done $0x0  }
0xec: {  	[sflag:s3] =	ssyncadd.s32 $0xFFFFFF80;
	_ =	sdelay $0x2  }
0xed: {  	_ =	swait.ge [sflag:s3], $0x80  }
0xee: {  	[sflag:s3] =	ssyncset.done $0x0  }
0xef: {  	[sflag:s3] =	ssyncadd.s32 $0xFFFFFF80;
	_ =	sdelay $0x2  }
0xf0: {  	_ =	swait.ge [sflag:s3], $0x80  }
0xf1: {  	[sflag:s3] =	ssyncset.done $0x0  }
0xf2: {  	[sflag:s3] =	ssyncadd.s32 $0xFFFFFF80;
	_ =	sdelay $0x2  }
0xf3: {  	_ =	swait.ge [sflag:s3], $0x80  }
0xf4: {  	[sflag:s3] =	ssyncset.done $0x0  }
0xf5: {  	[sflag:s3] =	ssyncadd.s32 $0xFFFFFF80;
	_ =	sdelay $0x2  }
0xf6: {  	_ =	swait.ge [sflag:s3], $0x80  }
0xf7: {  	[sflag:s3] =	ssyncset.done $0x0  }
0xf8: {  	[sflag:s3] =	ssyncadd.s32 $0xFFFFFF80;
	_ =	sdelay $0x2  }
0xf9: {  	_ =	swait.ge [sflag:s3], $0x80  }
0xfa: {  	[sflag:s3] =	ssyncset.done $0x0  }
0xfb: {  	[sflag:s3] =	ssyncadd.s32 $0xFFFFFF80;
	_ =	sdelay $0x2  }
0xfc: {  	_ =	swait.ge [sflag:s3], $0x80  }
0xfd: {  	[sflag:s3] =	ssyncset.done $0x0  }
0xfe: {  	[sflag:s3] =	ssyncadd.s32 $0xFFFFFF80;
	_ =	sdelay $0x2  }
0xff: {  	_ =	swait.ge [sflag:s3], $0x80  }
0x100: {  	[sflag:s3] =	ssyncset.done $0x0  }
0x101: {  	[sflag:s3] =	ssyncadd.s32 $0xFFFFFF80;
	_ =	sdelay $0x2  }
0x102: {  	_ =	swait.ge [sflag:s3], $0x80  }
0x103: {  	[sflag:s3] =	ssyncset.done $0x0  }
0x104: {  	[sflag:s3] =	ssyncadd.s32 $0xFFFFFF80;
	_ =	sdelay $0x2  }
0x105: {  	_ =	swait.ge [sflag:s3], $0x80  }
0x106: {  	[sflag:s3] =	ssyncset.done $0x0  }
0x107: {  	[sflag:s3] =	ssyncadd.s32 $0xFFFFFF80;
	_ =	sdelay $0x2  }
0x108: {  	_ =	swait.ge [sflag:s3], $0x80  }
0x109: {  	[sflag:s3] =	ssyncset.done $0x0  }
0x10a: {  	[sflag:s3] =	ssyncadd.s32 $0xFFFFFF80;
	_ =	sdelay $0x2  }
0x10b: {  	_ =	swait.ge [sflag:s3], $0x80  }
0x10c: {  	[sflag:s3] =	ssyncset.done $0x0  }
0x10d: {  	[sflag:s3] =	ssyncadd.s32 $0xFFFFFF80;
	_ =	sdelay $0x2  }
0x10e: {  	_ =	swait.ge [sflag:s3], $0x80  }
0x10f: {  	s25 =	sadd.s32 $0xC00, s0;
	[sflag:s3] =	ssyncset.done $0x0  }
0x110: {  	s26 =	sadd.s32 $0x1000, s0;
	s0 =	sadd.s32 $0x1400, s0;
	[sflag:s3] =	ssyncadd.s32 $0xFFFFFF80  }
0x111: {  	[hbm:s25], [sflag:s1] =	dma.local [spmem:s2], $0x400  }
0x112: {  	[hbm:s26], [sflag:s1] =	dma.local [spmem:s4], $0x400  }
0x113: {  	[hbm:s0], [sflag:s1] =	dma.local [spmem:s5], $0x400  }
0x114: {  	_ =	swait.ge [sflag:s1], $0x80  }
0x115: {  	[sflag:s1] =	ssyncset.done $0x0  }
0x116: {  	[sflag:s1] =	ssyncadd.s32 $0xFFFFFF80;
	_ =	sdelay $0x2  }
0x117: {  	_ =	swait.ge [sflag:s1], $0x80  }
0x118: {  	[sflag:s1] =	ssyncset.done $0x0  }
0x119: {  	[sflag:s1] =	ssyncadd.s32 $0xFFFFFF80;
	_ =	sdelay $0x2  }
0x11a: {  	_ =	swait.ge [sflag:s1], $0x80  }
0x11b: {  	[sflag:s1] =	ssyncset.done $0x0  }
0x11c: {  	[sflag:s1] =	ssyncadd.s32 $0xFFFFFF80;
	_ =	sdelay $0x2  }
0x11d: {  	_ =	swait.ge [sflag:s1], $0x80  }
0x11e: {  	[sflag:s1] =	ssyncset.done $0x0  }
0x11f: {  	[sflag:s1] =	ssyncadd.s32 $0xFFFFFF80;
	_ =	sdelay $0x2  }
0x120: {  	_ =	swait.ge [sflag:s1], $0x80  }
0x121: {  	[sflag:s1] =	ssyncset.done $0x0  }
0x122: {  	[sflag:s1] =	ssyncadd.s32 $0xFFFFFF80;
	_ =	sdelay $0x2  }
0x123: {  	_ =	swait.ge [sflag:s1], $0x80  }
0x124: {  	[sflag:s1] =	ssyncset.done $0x0  }
0x125: {  	[sflag:s1] =	ssyncadd.s32 $0xFFFFFF80;
	_ =	sdelay $0x2  }
0x126: {  	_ =	swait.ge [sflag:s1], $0x80  }
0x127: {  	[sflag:s1] =	ssyncset.done $0x0  }
0x128: {  	[sflag:s1] =	ssyncadd.s32 $0xFFFFFF80;
	_ =	sdelay $0x2  }
0x129: {  	_ =	swait.ge [sflag:s1], $0x80  }
0x12a: {  	[sflag:s1] =	ssyncset.done $0x0  }
0x12b: {  	[sflag:s1] =	ssyncadd.s32 $0xFFFFFF80;
	_ =	sdelay $0x2  }
0x12c: {  	_ =	swait.ge [sflag:s1], $0x80  }
0x12d: {  	[sflag:s1] =	ssyncset.done $0x0  }
0x12e: {  	[sflag:s1] =	ssyncadd.s32 $0xFFFFFF80;
	_ =	sdelay $0x2  }
0x12f: {  	_ =	swait.ge [sflag:s1], $0x80  }
0x130: {  	[sflag:s1] =	ssyncset.done $0x0  }
0x131: {  	[sflag:s1] =	ssyncadd.s32 $0xFFFFFF80;
	_ =	sdelay $0x2  }
0x132: {  	_ =	swait.ge [sflag:s1], $0x80  }
0x133: {  	[sflag:s1] =	ssyncset.done $0x0  }
0x134: {  	[sflag:s1] =	ssyncadd.s32 $0xFFFFFF80;
	_ =	sdelay $0x2  }
0x135: {  	_ =	swait.ge [sflag:s1], $0x80  }
0x136: {  	[sflag:s1] =	ssyncset.done $0x0  }
0x137: {  	[sflag:s1] =	ssyncadd.s32 $0xFFFFFF80;
	_ =	sdelay $0x2  }
0x138: {  	_ =	swait.ge [sflag:s1], $0x80  }
0x139: {  	[sflag:s1] =	ssyncset.done $0x0  }
0x13a: {  	[sflag:s1] =	ssyncadd.s32 $0xFFFFFF80;
	_ =	sdelay $0x2  }
0x13b: {  	_ =	swait.ge [sflag:s1], $0x80  }
0x13c: {  	[sflag:s1] =	ssyncset.done $0x0  }
0x13d: {  	[sflag:s1] =	ssyncadd.s32 $0xFFFFFF80;
	_ =	sdelay $0x2  }
0x13e: {  	_ =	swait.ge [sflag:s1], $0x80  }
0x13f: {  	[sflag:s1] =	ssyncset.done $0x0  }
0x140: {  	[sflag:s1] =	ssyncadd.s32 $0xFFFFFF80;
	_ =	sdelay $0x2  }
0x141: {  	_ =	swait.ge [sflag:s1], $0x80  }
0x142: {  	[sflag:s1] =	ssyncset.done $0x0  }
0x143: {  	[sflag:s1] =	ssyncadd.s32 $0xFFFFFF80;
	_ =	sdelay $0x2  }
0x144: {  	_ =	swait.ge [sflag:s1], $0x400  }
0x145: {  	[sflag:s1] =	ssyncset.done $0x0  }
0x146: {  	[sflag:s1] =	ssyncadd.s32 $0xFFFFFC00;
	_ =	sdelay $0x2  }
0x147: {  	_ =	swait.ge [sflag:s1], $0x400  }
0x148: {  	[sflag:s1] =	ssyncset.done $0x0  }
0x149: {  	[sflag:s1] =	ssyncadd.s32 $0xFFFFFC00;
	_ =	sdelay $0x2  }
0x14a: {  	_ =	swait.ge [sflag:s1], $0x400  }
0x14b: {  	[sflag:s1] =	ssyncset.done $0x0  }
0x14c: {  	[sflag:s1] =	ssyncadd.s32 $0xFFFFFC00  }
0x14d: {  	_ =	strace $0x90000046  }
0x14e: {  	_ =	sfence  }
0x14f: {  	s28 =	sld [smem:$0x0];
	_ =	sdelay $0x1  }
0x150: {  	s29 =	srdreg.scid  }
0x151: {  	s30 =	sshll.u32 s29, $0xD;
	s31 =	sshrl.u32 s29, $0x2  }
0x152: {  	s2 =	sand.u32 $0x4000, s30;
	s1 =	sand.u32 $0x1, s29;
	s0 =	sadd.s32 s31, s28  }
0x153: {  	s1 =	sor.u32 s2, s1;
	s0 =	sshll.u32 s0, $0x11  }
0x154: {  	s0 =	sor.u32 s0, s1  }
0x155: {  	s0 =	sadd.s32 $0x8F2B, s0;
	(pc) =	sbr.abs _section_cstart, $3  }
0x156: {  	[sflag:s0] =	ssyncadd.remote.s32 $0x1  }
0x157: {  	_ =	strace $0x9FFFFFFF  }
0x158: {  	(tm) =	ssettm $0x7FFFFFFF  }
0x159: {  	_ =	shalt  }

</sc_bundles>
